<compile_context>
chip_gen: v7x
topology: tpu7x:2x2x1
jax: 0.10.2.dev20260603
libtpu: 0.0.44.dev20260713+nightly
codegen_flags: <defaults>
</compile_context>

<pallas_src>
import functools

import jax
import jax.numpy as jnp
from jax import lax
from jax.experimental import pallas as pl
from jax.experimental.pallas import tpu as pltpu
from jax.experimental.pallas import tpu_sc as plsc

_NC = 2
_NS = 16
_NW = _NC * _NS
_L = 16


def _sc_coeffs(ac_pad, t, batch_idx, base, out_n, num_b, chunk):
    per_tile = out_n // _NW
    n_chunks = per_tile // chunk
    tbl_iters = num_b // _L
    node_iters = chunk // _L

    mesh = plsc.VectorSubcoreMesh(core_axis_name="c", subcore_axis_name="s")

    @functools.partial(
        pl.kernel,
        mesh=mesh,
        compiler_params=pltpu.CompilerParams(needs_layout_passes=False),
        out_type=[
            jax.ShapeDtypeStruct((out_n,), jnp.float32),
        ],
        scratch_types=[
            pltpu.VMEM((ac_pad.shape[0],), jnp.float32),
            pltpu.VMEM((num_b,), jnp.int32),
            pltpu.VMEM((num_b,), jnp.float32),
            pltpu.VMEM((chunk,), jnp.int32),
            pltpu.VMEM((chunk,), jnp.float32),
        ],
    )
    def sc_k(ac_hbm, t_hbm, bidx_hbm, a_hbm,
             ac_v, t_v, a_v, bi_v, ao_v):
        wid = lax.axis_index("s") * _NC + lax.axis_index("c")
        pltpu.sync_copy(ac_hbm, ac_v)
        pltpu.sync_copy(t_hbm, t_v)

        def table_body(k, carry):
            sl = pl.ds(k * _L, _L)
            a_v[sl] = plsc.load_gather(ac_v, [t_v[sl]])
            return carry

        lax.fori_loop(0, tbl_iters, table_body, 0)

        local = wid * per_tile
        for c in range(n_chunks):
            off = local + c * chunk
            pltpu.sync_copy(bidx_hbm.at[pl.ds(base + off, chunk)], bi_v)

            def node_body(i, carry):
                sl = pl.ds(i * _L, _L)
                ao_v[sl] = plsc.load_gather(a_v, [bi_v[sl]])
                return carry

            lax.fori_loop(0, node_iters, node_body, 0)
            pltpu.sync_copy(ao_v, a_hbm.at[pl.ds(off, chunk)])

    return sc_k(ac_pad, t, batch_idx)


def _tc_body0(x_ref, n_ref, a_ref, o_ref):
    a = a_ref[...].reshape(1, a_ref.shape[0])
    o_ref[...] = jnp.sqrt(a) * x_ref[...] + jnp.sqrt(1.0 - a) * n_ref[...]


def _tc_body1(x_ref, n_ref, a_ref, prev_ref, o_ref):
    del prev_ref
    a = a_ref[...].reshape(1, a_ref.shape[0])
    o_ref[...] = jnp.sqrt(a) * x_ref[...] + jnp.sqrt(1.0 - a) * n_ref[...]


def kernel(x, t, batch_idx, gen_flag, noise, alphas_cumprod):
    del gen_flag
    n, d = x.shape
    num_b = t.shape[0]
    num_t = alphas_cumprod.shape[0]

    pad = (-num_t) % 16
    ac_pad = jnp.concatenate(
        [alphas_cumprod, jnp.zeros((pad,), jnp.float32)]) if pad else alphas_cumprod

    head = n // 2
    (a_n0,) = _sc_coeffs(ac_pad, t, batch_idx, base=0, out_n=head,
                         num_b=num_b, chunk=8192)
    (a_n1,) = _sc_coeffs(ac_pad, t, batch_idx, base=head, out_n=n - head,
                         num_b=num_b, chunk=8192)

    xt = x.T
    nt = noise.T
    cblk = 65536
    hgrid = head // cblk
    tgrid = (n - head) // cblk

    out0 = pl.pallas_call(
        _tc_body0,
        grid=(hgrid,),
        in_specs=[
            pl.BlockSpec((d, cblk), lambda i: (0, i)),
            pl.BlockSpec((d, cblk), lambda i: (0, i)),
            pl.BlockSpec((cblk,), lambda i: (i,)),
        ],
        out_specs=pl.BlockSpec((d, cblk), lambda i: (0, i)),
        out_shape=jax.ShapeDtypeStruct((d, n), jnp.float32),
    )(xt, nt, a_n0)

    out_t = pl.pallas_call(
        _tc_body1,
        grid=(tgrid,),
        in_specs=[
            pl.BlockSpec((d, cblk), lambda i, h=hgrid: (0, i + h)),
            pl.BlockSpec((d, cblk), lambda i, h=hgrid: (0, i + h)),
            pl.BlockSpec((cblk,), lambda i: (i,)),
            pl.BlockSpec((d, 128), lambda i: (0, 0)),
        ],
        out_specs=pl.BlockSpec((d, cblk), lambda i, h=hgrid: (0, i + h)),
        out_shape=jax.ShapeDtypeStruct((d, n), jnp.float32),
        input_output_aliases={3: 0},
    )(xt, nt, a_n1, out0)

    return (out_t.T, noise)

# --- scband reference (transcript-rebuilt; emitter-appended) ---
"""Pipeline reference for scband-ctnvpscheduler-29618094473602 (READ-ONLY COPY).

The authoritative reference and input builder live on the scoring server;
editing this copy changes nothing except your own understanding.
"""

import jax, jax.numpy as jnp
import numpy as np

NUM_T = 1000
N = 1048576
D = 16
B = 4096
BETA_START = 1e-07
BETA_END = 0.002


def _alphas_cumprod():
    xx = np.linspace(-6, 6, NUM_T)
    sig = 1.0 / (np.exp(-xx) + 1.0)
    betas = sig * (BETA_END - BETA_START) + BETA_START
    alphas = 1.0 - betas
    return np.cumprod(alphas, axis=0)


def setup_inputs(seed: int = 0) -> dict:
    key = jax.random.key(seed)
    k1, k2, k3, k4 = jax.random.split(key, 4)
    x = jax.random.normal(k1, (N, D), dtype=jnp.float32)
    noise = jax.random.normal(k2, (N, D), dtype=jnp.float32)
    t = jax.random.randint(k3, (B,), 0, NUM_T)
    batch_idx = jnp.sort(jax.random.randint(k4, (N,), 0, B))
    gen_flag = jnp.ones((N,), dtype=bool)
    alphas_cumprod = jnp.asarray(_alphas_cumprod(), dtype=jnp.float32)
    return {"x": x, "t": t, "batch_idx": batch_idx, "gen_flag": gen_flag, "noise": noise, "alphas_cumprod": alphas_cumprod}


def reference(x, t, batch_idx, gen_flag, noise, alphas_cumprod):
    # CTNVPScheduler.forward_add_noise (zero_center=False, noise provided)
    a = jnp.take(alphas_cumprod, t, axis=0)          # gather over timestep table [B]
    a_expand = jnp.take(a, batch_idx, axis=0)[:, None]  # gather per-node coeff [N,1]
    x_noisy = jnp.sqrt(a_expand) * x + jnp.sqrt(1.0 - a_expand) * noise
    out = jnp.where(gen_flag[:, None], x_noisy, x)
    return (out, noise)

if __name__ == "__main__":
    import jax
    _d = setup_inputs()
    print(jax.jit(kernel)(*tuple(_d.values())))

</pallas_src>

<mosaic_0001>
#map = affine_map<(d0, d1) -> (0)>
module attributes {stable_mosaic.version = 14 : i64} {
  func.func @sc_k(%arg0: i32, %arg1: i32, %arg2: memref<1008xf32, #tpu.memory_space<hbm>>, %arg3: memref<4096xi32, #tpu.memory_space<hbm>>, %arg4: memref<1048576xi32, #tpu.memory_space<hbm>>, %arg5: memref<524288xf32, #tpu.memory_space<hbm>>, %arg6: memref<1008xf32, #tpu.memory_space<vmem>>, %arg7: memref<4096xi32, #tpu.memory_space<vmem>>, %arg8: memref<4096xf32, #tpu.memory_space<vmem>>, %arg9: memref<8192xi32, #tpu.memory_space<vmem>>, %arg10: memref<8192xf32, #tpu.memory_space<vmem>>) attributes {dimension_semantics = [#tpu.dimension_semantics<core_parallel>, #tpu.dimension_semantics<subcore_parallel>], iteration_bounds = array<i64: 2, 16>, scalar_prefetch = 0 : i64, scratch_operands = 5 : i64, tpu.core_type = #tpu.core_type<sc_vector_subcore>, window_params = [{transform_indices = #map}, {transform_indices = #map}, {transform_indices = #map}, {transform_indices = #map}]} {
    %mul3A = arith.constant 2 : i32
    %mul3A_0 = arith.muli %arg1, %mul3A : i32
    %add3A = arith.addi %mul3A_0, %arg0 : i32
    "tpu.region"() ({
      %run_scoped3A = tpu.sem_alloc : memref<!tpu.dma_semaphore, #tpu.memory_space<semaphore_mem>>
      tpu.enqueue_dma source(%arg2 : memref<1008xf32, #tpu.memory_space<hbm>>) target(%arg6 : memref<1008xf32, #tpu.memory_space<vmem>>) target_semaphore(%run_scoped3A : memref<!tpu.dma_semaphore, #tpu.memory_space<semaphore_mem>>)
      tpu.wait_dma2 semaphore(%run_scoped3A : memref<!tpu.dma_semaphore, #tpu.memory_space<semaphore_mem>>) src(%arg2 : memref<1008xf32, #tpu.memory_space<hbm>>) dst(%arg6 : memref<1008xf32, #tpu.memory_space<vmem>>)
      tpu.yield
    }) : () -> ()
    "tpu.region"() ({
      %run_scoped3A = tpu.sem_alloc : memref<!tpu.dma_semaphore, #tpu.memory_space<semaphore_mem>>
      tpu.enqueue_dma source(%arg3 : memref<4096xi32, #tpu.memory_space<hbm>>) target(%arg7 : memref<4096xi32, #tpu.memory_space<vmem>>) target_semaphore(%run_scoped3A : memref<!tpu.dma_semaphore, #tpu.memory_space<semaphore_mem>>)
      tpu.wait_dma2 semaphore(%run_scoped3A : memref<!tpu.dma_semaphore, #tpu.memory_space<semaphore_mem>>) src(%arg3 : memref<4096xi32, #tpu.memory_space<hbm>>) dst(%arg7 : memref<4096xi32, #tpu.memory_space<vmem>>)
      tpu.yield
    }) : () -> ()
    %scan3A = arith.constant 0 : i32
    %scan3A_1 = arith.constant 0 : i32
    %scan3A_2 = arith.constant 256 : i32
    %scan3A_3 = arith.addi %scan3A_1, %scan3A_2 : i32
    %scan3A_4 = arith.constant 1 : i32
    scf.for %scan3A_28 = %scan3A_1 to %scan3A_3 step %scan3A_4  : i32 {
      %mul3A_29 = arith.constant 16 : i32
      %mul3A_30 = arith.muli %scan3A_28, %mul3A_29 : i32
      %get3A = arith.index_cast %mul3A_30 : i32 to index
      %get3A_31 = tpu.vector_load %arg7[%get3A] {strides = array<i32>} : memref<4096xi32, #tpu.memory_space<vmem>>, vector<16xi32>,
      %gather3A = tpu.vector_load_idx %arg6[%get3A_31] : memref<1008xf32, #tpu.memory_space<vmem>>[vector<16xi32>], vector<16xf32>,
      %swap3A = arith.index_cast %mul3A_30 : i32 to index
      %swap3A_32 = tpu.vector_load %arg8[%swap3A] {strides = array<i32>} : memref<4096xf32, #tpu.memory_space<vmem>>, vector<16xf32>,
      tpu.vector_store %arg8[%swap3A], %gather3A {strides = array<i32>} : memref<4096xf32, #tpu.memory_space<vmem>>, vector<16xf32>,
    }
    %scan3A_5 = arith.constant 256 : i32
    %mul3A_6 = arith.constant 16384 : i32
    %mul3A_7 = arith.muli %add3A, %mul3A_6 : i32
    %add3A_8 = arith.constant 0 : i32
    %add3A_9 = arith.addi %mul3A_7, %add3A_8 : i32
    %add3A_10 = arith.constant 524288 : i32
    %add3A_11 = arith.addi %add3A_10, %add3A_9 : i32
    "tpu.region"() ({
      %run_scoped3A = tpu.sem_alloc : memref<!tpu.dma_semaphore, #tpu.memory_space<semaphore_mem>>
      %dma_start3A = tpu.memref_slice %arg4[%add3A_11] : memref<1048576xi32, #tpu.memory_space<hbm>> -> memref<8192xi32, #tpu.memory_space<hbm>>
      %dma_start3A_28 = tpu.memref_slice %arg4[%add3A_11] : memref<1048576xi32, #tpu.memory_space<hbm>> -> memref<8192xi32, #tpu.memory_space<hbm>>
      tpu.enqueue_dma source(%dma_start3A_28 : memref<8192xi32, #tpu.memory_space<hbm>>) target(%arg9 : memref<8192xi32, #tpu.memory_space<vmem>>) target_semaphore(%run_scoped3A : memref<!tpu.dma_semaphore, #tpu.memory_space<semaphore_mem>>)
      %dma_wait3A = tpu.memref_slice %arg4[%add3A_11] : memref<1048576xi32, #tpu.memory_space<hbm>> -> memref<8192xi32, #tpu.memory_space<hbm>>
      %dma_wait3A_29 = tpu.memref_slice %arg4[%add3A_11] : memref<1048576xi32, #tpu.memory_space<hbm>> -> memref<8192xi32, #tpu.memory_space<hbm>>
      tpu.wait_dma2 semaphore(%run_scoped3A : memref<!tpu.dma_semaphore, #tpu.memory_space<semaphore_mem>>) src(%dma_wait3A_29 : memref<8192xi32, #tpu.memory_space<hbm>>) dst(%arg9 : memref<8192xi32, #tpu.memory_space<vmem>>)
      tpu.yield
    }) : () -> ()
    %scan3A_12 = arith.constant 0 : i32
    %scan3A_13 = arith.constant 0 : i32
    %scan3A_14 = arith.constant 512 : i32
    %scan3A_15 = arith.addi %scan3A_13, %scan3A_14 : i32
    %scan3A_16 = arith.constant 1 : i32
    scf.for %scan3A_28 = %scan3A_13 to %scan3A_15 step %scan3A_16  : i32 {
      %mul3A_29 = arith.constant 16 : i32
      %mul3A_30 = arith.muli %scan3A_28, %mul3A_29 : i32
      %get3A = arith.index_cast %mul3A_30 : i32 to index
      %get3A_31 = tpu.vector_load %arg9[%get3A] {strides = array<i32>} : memref<8192xi32, #tpu.memory_space<vmem>>, vector<16xi32>,
      %gather3A = tpu.vector_load_idx %arg8[%get3A_31] : memref<4096xf32, #tpu.memory_space<vmem>>[vector<16xi32>], vector<16xf32>,
      %swap3A = arith.index_cast %mul3A_30 : i32 to index
      %swap3A_32 = tpu.vector_load %arg10[%swap3A] {strides = array<i32>} : memref<8192xf32, #tpu.memory_space<vmem>>, vector<16xf32>,
      tpu.vector_store %arg10[%swap3A], %gather3A {strides = array<i32>} : memref<8192xf32, #tpu.memory_space<vmem>>, vector<16xf32>,
    }
    %scan3A_17 = arith.constant 512 : i32
    "tpu.region"() ({
      %run_scoped3A = tpu.sem_alloc : memref<!tpu.dma_semaphore, #tpu.memory_space<semaphore_mem>>
      %dma_start3A = tpu.memref_slice %arg5[%add3A_9] : memref<524288xf32, #tpu.memory_space<hbm>> -> memref<8192xf32, #tpu.memory_space<hbm>>
      %dma_start3A_28 = tpu.memref_slice %arg5[%add3A_9] : memref<524288xf32, #tpu.memory_space<hbm>> -> memref<8192xf32, #tpu.memory_space<hbm>>
      tpu.enqueue_dma source(%arg10 : memref<8192xf32, #tpu.memory_space<vmem>>) target(%dma_start3A_28 : memref<8192xf32, #tpu.memory_space<hbm>>) target_semaphore(%run_scoped3A : memref<!tpu.dma_semaphore, #tpu.memory_space<semaphore_mem>>)
      %dma_wait3A = tpu.memref_slice %arg5[%add3A_9] : memref<524288xf32, #tpu.memory_space<hbm>> -> memref<8192xf32, #tpu.memory_space<hbm>>
      %dma_wait3A_29 = tpu.memref_slice %arg5[%add3A_9] : memref<524288xf32, #tpu.memory_space<hbm>> -> memref<8192xf32, #tpu.memory_space<hbm>>
      tpu.wait_dma2 semaphore(%run_scoped3A : memref<!tpu.dma_semaphore, #tpu.memory_space<semaphore_mem>>) src(%arg10 : memref<8192xf32, #tpu.memory_space<vmem>>) dst(%dma_wait3A_29 : memref<8192xf32, #tpu.memory_space<hbm>>)
      tpu.yield
    }) : () -> ()
    %add3A_18 = arith.constant 8192 : i32
    %add3A_19 = arith.addi %mul3A_7, %add3A_18 : i32
    %add3A_20 = arith.constant 524288 : i32
    %add3A_21 = arith.addi %add3A_20, %add3A_19 : i32
    "tpu.region"() ({
      %run_scoped3A = tpu.sem_alloc : memref<!tpu.dma_semaphore, #tpu.memory_space<semaphore_mem>>
      %dma_start3A = tpu.memref_slice %arg4[%add3A_21] : memref<1048576xi32, #tpu.memory_space<hbm>> -> memref<8192xi32, #tpu.memory_space<hbm>>
      %dma_start3A_28 = tpu.memref_slice %arg4[%add3A_21] : memref<1048576xi32, #tpu.memory_space<hbm>> -> memref<8192xi32, #tpu.memory_space<hbm>>
      tpu.enqueue_dma source(%dma_start3A_28 : memref<8192xi32, #tpu.memory_space<hbm>>) target(%arg9 : memref<8192xi32, #tpu.memory_space<vmem>>) target_semaphore(%run_scoped3A : memref<!tpu.dma_semaphore, #tpu.memory_space<semaphore_mem>>)
      %dma_wait3A = tpu.memref_slice %arg4[%add3A_21] : memref<1048576xi32, #tpu.memory_space<hbm>> -> memref<8192xi32, #tpu.memory_space<hbm>>
      %dma_wait3A_29 = tpu.memref_slice %arg4[%add3A_21] : memref<1048576xi32, #tpu.memory_space<hbm>> -> memref<8192xi32, #tpu.memory_space<hbm>>
      tpu.wait_dma2 semaphore(%run_scoped3A : memref<!tpu.dma_semaphore, #tpu.memory_space<semaphore_mem>>) src(%dma_wait3A_29 : memref<8192xi32, #tpu.memory_space<hbm>>) dst(%arg9 : memref<8192xi32, #tpu.memory_space<vmem>>)
      tpu.yield
    }) : () -> ()
    %scan3A_22 = arith.constant 0 : i32
    %scan3A_23 = arith.constant 0 : i32
    %scan3A_24 = arith.constant 512 : i32
    %scan3A_25 = arith.addi %scan3A_23, %scan3A_24 : i32
    %scan3A_26 = arith.constant 1 : i32
    scf.for %scan3A_28 = %scan3A_23 to %scan3A_25 step %scan3A_26  : i32 {
      %mul3A_29 = arith.constant 16 : i32
      %mul3A_30 = arith.muli %scan3A_28, %mul3A_29 : i32
      %get3A = arith.index_cast %mul3A_30 : i32 to index
      %get3A_31 = tpu.vector_load %arg9[%get3A] {strides = array<i32>} : memref<8192xi32, #tpu.memory_space<vmem>>, vector<16xi32>,
      %gather3A = tpu.vector_load_idx %arg8[%get3A_31] : memref<4096xf32, #tpu.memory_space<vmem>>[vector<16xi32>], vector<16xf32>,
      %swap3A = arith.index_cast %mul3A_30 : i32 to index
      %swap3A_32 = tpu.vector_load %arg10[%swap3A] {strides = array<i32>} : memref<8192xf32, #tpu.memory_space<vmem>>, vector<16xf32>,
      tpu.vector_store %arg10[%swap3A], %gather3A {strides = array<i32>} : memref<8192xf32, #tpu.memory_space<vmem>>, vector<16xf32>,
    }
    %scan3A_27 = arith.constant 512 : i32
    "tpu.region"() ({
      %run_scoped3A = tpu.sem_alloc : memref<!tpu.dma_semaphore, #tpu.memory_space<semaphore_mem>>
      %dma_start3A = tpu.memref_slice %arg5[%add3A_19] : memref<524288xf32, #tpu.memory_space<hbm>> -> memref<8192xf32, #tpu.memory_space<hbm>>
      %dma_start3A_28 = tpu.memref_slice %arg5[%add3A_19] : memref<524288xf32, #tpu.memory_space<hbm>> -> memref<8192xf32, #tpu.memory_space<hbm>>
      tpu.enqueue_dma source(%arg10 : memref<8192xf32, #tpu.memory_space<vmem>>) target(%dma_start3A_28 : memref<8192xf32, #tpu.memory_space<hbm>>) target_semaphore(%run_scoped3A : memref<!tpu.dma_semaphore, #tpu.memory_space<semaphore_mem>>)
      %dma_wait3A = tpu.memref_slice %arg5[%add3A_19] : memref<524288xf32, #tpu.memory_space<hbm>> -> memref<8192xf32, #tpu.memory_space<hbm>>
      %dma_wait3A_29 = tpu.memref_slice %arg5[%add3A_19] : memref<524288xf32, #tpu.memory_space<hbm>> -> memref<8192xf32, #tpu.memory_space<hbm>>
      tpu.wait_dma2 semaphore(%run_scoped3A : memref<!tpu.dma_semaphore, #tpu.memory_space<semaphore_mem>>) src(%arg10 : memref<8192xf32, #tpu.memory_space<vmem>>) dst(%dma_wait3A_29 : memref<8192xf32, #tpu.memory_space<hbm>>)
      tpu.yield
    }) : () -> ()
    return
  }
}

#map = affine_map<(d0, d1) -> (0)>
module attributes {stable_mosaic.version = 14 : i64} {
  func.func @sc_k(%arg0: i32, %arg1: i32, %arg2: memref<1008xf32, #tpu.memory_space<hbm>>, %arg3: memref<4096xi32, #tpu.memory_space<hbm>>, %arg4: memref<1048576xi32, #tpu.memory_space<hbm>>, %arg5: memref<524288xf32, #tpu.memory_space<hbm>>, %arg6: memref<1008xf32, #tpu.memory_space<vmem>>, %arg7: memref<4096xi32, #tpu.memory_space<vmem>>, %arg8: memref<4096xf32, #tpu.memory_space<vmem>>, %arg9: memref<8192xi32, #tpu.memory_space<vmem>>, %arg10: memref<8192xf32, #tpu.memory_space<vmem>>) attributes {dimension_semantics = [#tpu.dimension_semantics<core_parallel>, #tpu.dimension_semantics<subcore_parallel>], iteration_bounds = array<i64: 2, 16>, scalar_prefetch = 0 : i64, scratch_operands = 5 : i64, tpu.core_type = #tpu.core_type<sc_vector_subcore>, window_params = [{transform_indices = #map}, {transform_indices = #map}, {transform_indices = #map}, {transform_indices = #map}]} {
    %mul3A = arith.constant 2 : i32
    %mul3A_0 = arith.muli %arg1, %mul3A : i32
    %add3A = arith.addi %mul3A_0, %arg0 : i32
    "tpu.region"() ({
      %run_scoped3A = tpu.sem_alloc : memref<!tpu.dma_semaphore, #tpu.memory_space<semaphore_mem>>
      tpu.enqueue_dma source(%arg2 : memref<1008xf32, #tpu.memory_space<hbm>>) target(%arg6 : memref<1008xf32, #tpu.memory_space<vmem>>) target_semaphore(%run_scoped3A : memref<!tpu.dma_semaphore, #tpu.memory_space<semaphore_mem>>)
      tpu.wait_dma2 semaphore(%run_scoped3A : memref<!tpu.dma_semaphore, #tpu.memory_space<semaphore_mem>>) src(%arg2 : memref<1008xf32, #tpu.memory_space<hbm>>) dst(%arg6 : memref<1008xf32, #tpu.memory_space<vmem>>)
      tpu.yield
    }) : () -> ()
    "tpu.region"() ({
      %run_scoped3A = tpu.sem_alloc : memref<!tpu.dma_semaphore, #tpu.memory_space<semaphore_mem>>
      tpu.enqueue_dma source(%arg3 : memref<4096xi32, #tpu.memory_space<hbm>>) target(%arg7 : memref<4096xi32, #tpu.memory_space<vmem>>) target_semaphore(%run_scoped3A : memref<!tpu.dma_semaphore, #tpu.memory_space<semaphore_mem>>)
      tpu.wait_dma2 semaphore(%run_scoped3A : memref<!tpu.dma_semaphore, #tpu.memory_space<semaphore_mem>>) src(%arg3 : memref<4096xi32, #tpu.memory_space<hbm>>) dst(%arg7 : memref<4096xi32, #tpu.memory_space<vmem>>)
      tpu.yield
    }) : () -> ()
    %scan3A = arith.constant 0 : i32
    %scan3A_1 = arith.constant 0 : i32
    %scan3A_2 = arith.constant 256 : i32
    %scan3A_3 = arith.addi %scan3A_1, %scan3A_2 : i32
    %scan3A_4 = arith.constant 1 : i32
    scf.for %scan3A_28 = %scan3A_1 to %scan3A_3 step %scan3A_4  : i32 {
      %mul3A_29 = arith.constant 16 : i32
      %mul3A_30 = arith.muli %scan3A_28, %mul3A_29 : i32
      %get3A = arith.index_cast %mul3A_30 : i32 to index
      %get3A_31 = tpu.vector_load %arg7[%get3A] {strides = array<i32>} : memref<4096xi32, #tpu.memory_space<vmem>>, vector<16xi32>,
      %gather3A = tpu.vector_load_idx %arg6[%get3A_31] : memref<1008xf32, #tpu.memory_space<vmem>>[vector<16xi32>], vector<16xf32>,
      %swap3A = arith.index_cast %mul3A_30 : i32 to index
      %swap3A_32 = tpu.vector_load %arg8[%swap3A] {strides = array<i32>} : memref<4096xf32, #tpu.memory_space<vmem>>, vector<16xf32>,
      tpu.vector_store %arg8[%swap3A], %gather3A {strides = array<i32>} : memref<4096xf32, #tpu.memory_space<vmem>>, vector<16xf32>,
    }
    %scan3A_5 = arith.constant 256 : i32
    %mul3A_6 = arith.constant 16384 : i32
    %mul3A_7 = arith.muli %add3A, %mul3A_6 : i32
    %add3A_8 = arith.constant 0 : i32
    %add3A_9 = arith.addi %mul3A_7, %add3A_8 : i32
    %add3A_10 = arith.constant 0 : i32
    %add3A_11 = arith.addi %add3A_10, %add3A_9 : i32
    "tpu.region"() ({
      %run_scoped3A = tpu.sem_alloc : memref<!tpu.dma_semaphore, #tpu.memory_space<semaphore_mem>>
      %dma_start3A = tpu.memref_slice %arg4[%add3A_11] : memref<1048576xi32, #tpu.memory_space<hbm>> -> memref<8192xi32, #tpu.memory_space<hbm>>
      %dma_start3A_28 = tpu.memref_slice %arg4[%add3A_11] : memref<1048576xi32, #tpu.memory_space<hbm>> -> memref<8192xi32, #tpu.memory_space<hbm>>
      tpu.enqueue_dma source(%dma_start3A_28 : memref<8192xi32, #tpu.memory_space<hbm>>) target(%arg9 : memref<8192xi32, #tpu.memory_space<vmem>>) target_semaphore(%run_scoped3A : memref<!tpu.dma_semaphore, #tpu.memory_space<semaphore_mem>>)
      %dma_wait3A = tpu.memref_slice %arg4[%add3A_11] : memref<1048576xi32, #tpu.memory_space<hbm>> -> memref<8192xi32, #tpu.memory_space<hbm>>
      %dma_wait3A_29 = tpu.memref_slice %arg4[%add3A_11] : memref<1048576xi32, #tpu.memory_space<hbm>> -> memref<8192xi32, #tpu.memory_space<hbm>>
      tpu.wait_dma2 semaphore(%run_scoped3A : memref<!tpu.dma_semaphore, #tpu.memory_space<semaphore_mem>>) src(%dma_wait3A_29 : memref<8192xi32, #tpu.memory_space<hbm>>) dst(%arg9 : memref<8192xi32, #tpu.memory_space<vmem>>)
      tpu.yield
    }) : () -> ()
    %scan3A_12 = arith.constant 0 : i32
    %scan3A_13 = arith.constant 0 : i32
    %scan3A_14 = arith.constant 512 : i32
    %scan3A_15 = arith.addi %scan3A_13, %scan3A_14 : i32
    %scan3A_16 = arith.constant 1 : i32
    scf.for %scan3A_28 = %scan3A_13 to %scan3A_15 step %scan3A_16  : i32 {
      %mul3A_29 = arith.constant 16 : i32
      %mul3A_30 = arith.muli %scan3A_28, %mul3A_29 : i32
      %get3A = arith.index_cast %mul3A_30 : i32 to index
      %get3A_31 = tpu.vector_load %arg9[%get3A] {strides = array<i32>} : memref<8192xi32, #tpu.memory_space<vmem>>, vector<16xi32>,
      %gather3A = tpu.vector_load_idx %arg8[%get3A_31] : memref<4096xf32, #tpu.memory_space<vmem>>[vector<16xi32>], vector<16xf32>,
      %swap3A = arith.index_cast %mul3A_30 : i32 to index
      %swap3A_32 = tpu.vector_load %arg10[%swap3A] {strides = array<i32>} : memref<8192xf32, #tpu.memory_space<vmem>>, vector<16xf32>,
      tpu.vector_store %arg10[%swap3A], %gather3A {strides = array<i32>} : memref<8192xf32, #tpu.memory_space<vmem>>, vector<16xf32>,
    }
    %scan3A_17 = arith.constant 512 : i32
    "tpu.region"() ({
      %run_scoped3A = tpu.sem_alloc : memref<!tpu.dma_semaphore, #tpu.memory_space<semaphore_mem>>
      %dma_start3A = tpu.memref_slice %arg5[%add3A_9] : memref<524288xf32, #tpu.memory_space<hbm>> -> memref<8192xf32, #tpu.memory_space<hbm>>
      %dma_start3A_28 = tpu.memref_slice %arg5[%add3A_9] : memref<524288xf32, #tpu.memory_space<hbm>> -> memref<8192xf32, #tpu.memory_space<hbm>>
      tpu.enqueue_dma source(%arg10 : memref<8192xf32, #tpu.memory_space<vmem>>) target(%dma_start3A_28 : memref<8192xf32, #tpu.memory_space<hbm>>) target_semaphore(%run_scoped3A : memref<!tpu.dma_semaphore, #tpu.memory_space<semaphore_mem>>)
      %dma_wait3A = tpu.memref_slice %arg5[%add3A_9] : memref<524288xf32, #tpu.memory_space<hbm>> -> memref<8192xf32, #tpu.memory_space<hbm>>
      %dma_wait3A_29 = tpu.memref_slice %arg5[%add3A_9] : memref<524288xf32, #tpu.memory_space<hbm>> -> memref<8192xf32, #tpu.memory_space<hbm>>
      tpu.wait_dma2 semaphore(%run_scoped3A : memref<!tpu.dma_semaphore, #tpu.memory_space<semaphore_mem>>) src(%arg10 : memref<8192xf32, #tpu.memory_space<vmem>>) dst(%dma_wait3A_29 : memref<8192xf32, #tpu.memory_space<hbm>>)
      tpu.yield
    }) : () -> ()
    %add3A_18 = arith.constant 8192 : i32
    %add3A_19 = arith.addi %mul3A_7, %add3A_18 : i32
    %add3A_20 = arith.constant 0 : i32
    %add3A_21 = arith.addi %add3A_20, %add3A_19 : i32
    "tpu.region"() ({
      %run_scoped3A = tpu.sem_alloc : memref<!tpu.dma_semaphore, #tpu.memory_space<semaphore_mem>>
      %dma_start3A = tpu.memref_slice %arg4[%add3A_21] : memref<1048576xi32, #tpu.memory_space<hbm>> -> memref<8192xi32, #tpu.memory_space<hbm>>
      %dma_start3A_28 = tpu.memref_slice %arg4[%add3A_21] : memref<1048576xi32, #tpu.memory_space<hbm>> -> memref<8192xi32, #tpu.memory_space<hbm>>
      tpu.enqueue_dma source(%dma_start3A_28 : memref<8192xi32, #tpu.memory_space<hbm>>) target(%arg9 : memref<8192xi32, #tpu.memory_space<vmem>>) target_semaphore(%run_scoped3A : memref<!tpu.dma_semaphore, #tpu.memory_space<semaphore_mem>>)
      %dma_wait3A = tpu.memref_slice %arg4[%add3A_21] : memref<1048576xi32, #tpu.memory_space<hbm>> -> memref<8192xi32, #tpu.memory_space<hbm>>
      %dma_wait3A_29 = tpu.memref_slice %arg4[%add3A_21] : memref<1048576xi32, #tpu.memory_space<hbm>> -> memref<8192xi32, #tpu.memory_space<hbm>>
      tpu.wait_dma2 semaphore(%run_scoped3A : memref<!tpu.dma_semaphore, #tpu.memory_space<semaphore_mem>>) src(%dma_wait3A_29 : memref<8192xi32, #tpu.memory_space<hbm>>) dst(%arg9 : memref<8192xi32, #tpu.memory_space<vmem>>)
      tpu.yield
    }) : () -> ()
    %scan3A_22 = arith.constant 0 : i32
    %scan3A_23 = arith.constant 0 : i32
    %scan3A_24 = arith.constant 512 : i32
    %scan3A_25 = arith.addi %scan3A_23, %scan3A_24 : i32
    %scan3A_26 = arith.constant 1 : i32
    scf.for %scan3A_28 = %scan3A_23 to %scan3A_25 step %scan3A_26  : i32 {
      %mul3A_29 = arith.constant 16 : i32
      %mul3A_30 = arith.muli %scan3A_28, %mul3A_29 : i32
      %get3A = arith.index_cast %mul3A_30 : i32 to index
      %get3A_31 = tpu.vector_load %arg9[%get3A] {strides = array<i32>} : memref<8192xi32, #tpu.memory_space<vmem>>, vector<16xi32>,
      %gather3A = tpu.vector_load_idx %arg8[%get3A_31] : memref<4096xf32, #tpu.memory_space<vmem>>[vector<16xi32>], vector<16xf32>,
      %swap3A = arith.index_cast %mul3A_30 : i32 to index
      %swap3A_32 = tpu.vector_load %arg10[%swap3A] {strides = array<i32>} : memref<8192xf32, #tpu.memory_space<vmem>>, vector<16xf32>,
      tpu.vector_store %arg10[%swap3A], %gather3A {strides = array<i32>} : memref<8192xf32, #tpu.memory_space<vmem>>, vector<16xf32>,
    }
    %scan3A_27 = arith.constant 512 : i32
    "tpu.region"() ({
      %run_scoped3A = tpu.sem_alloc : memref<!tpu.dma_semaphore, #tpu.memory_space<semaphore_mem>>
      %dma_start3A = tpu.memref_slice %arg5[%add3A_19] : memref<524288xf32, #tpu.memory_space<hbm>> -> memref<8192xf32, #tpu.memory_space<hbm>>
      %dma_start3A_28 = tpu.memref_slice %arg5[%add3A_19] : memref<524288xf32, #tpu.memory_space<hbm>> -> memref<8192xf32, #tpu.memory_space<hbm>>
      tpu.enqueue_dma source(%arg10 : memref<8192xf32, #tpu.memory_space<vmem>>) target(%dma_start3A_28 : memref<8192xf32, #tpu.memory_space<hbm>>) target_semaphore(%run_scoped3A : memref<!tpu.dma_semaphore, #tpu.memory_space<semaphore_mem>>)
      %dma_wait3A = tpu.memref_slice %arg5[%add3A_19] : memref<524288xf32, #tpu.memory_space<hbm>> -> memref<8192xf32, #tpu.memory_space<hbm>>
      %dma_wait3A_29 = tpu.memref_slice %arg5[%add3A_19] : memref<524288xf32, #tpu.memory_space<hbm>> -> memref<8192xf32, #tpu.memory_space<hbm>>
      tpu.wait_dma2 semaphore(%run_scoped3A : memref<!tpu.dma_semaphore, #tpu.memory_space<semaphore_mem>>) src(%arg10 : memref<8192xf32, #tpu.memory_space<vmem>>) dst(%dma_wait3A_29 : memref<8192xf32, #tpu.memory_space<hbm>>)
      tpu.yield
    }) : () -> ()
    return
  }
}

module attributes {stable_mosaic.version = 14 : i64} {
  func.func @_tc_body1(%arg0: i32, %arg1: memref<16x65536xf32, #tpu.memory_space<vmem>>, %arg2: memref<16x65536xf32, #tpu.memory_space<vmem>>, %arg3: memref<65536xf32, #tpu.memory_space<vmem>>, %arg4: memref<16x128xf32, #tpu.memory_space<vmem>>, %arg5: memref<16x65536xf32, #tpu.memory_space<vmem>>) attributes {dimension_semantics = [#tpu.dimension_semantics<arbitrary>], iteration_bounds = array<i64: 8>, scalar_prefetch = 0 : i64, scratch_operands = 0 : i64, tpu.core_type = #tpu.core_type<tc>, window_params = [{transform_indices = @transform_0, window_bounds = array<i64: 16, 65536>}, {transform_indices = @transform_1, window_bounds = array<i64: 16, 65536>}, {transform_indices = @transform_2, window_bounds = array<i64: 65536>}, {transform_indices = @transform_3, window_bounds = array<i64: 16, 128>}, {transform_indices = @transform_4, window_bounds = array<i64: 16, 65536>}]} {
    %get3A = arith.constant 0 : index
    %get3A_0 = vector.load %arg3[%get3A] : memref<65536xf32, #tpu.memory_space<vmem>>, vector<65536xf32>
    %reshape3A = vector.shape_cast %get3A_0 : vector<65536xf32> to vector<1x65536xf32>
    %sqrt3A = math.sqrt %reshape3A : vector<1x65536xf32>
    %get3A_1 = arith.constant 0 : index
    %get3A_2 = arith.constant 0 : index
    %get3A_3 = vector.load %arg1[%get3A_1, %get3A_2] : memref<16x65536xf32, #tpu.memory_space<vmem>>, vector<16x65536xf32>
    %mul3A = vector.broadcast %sqrt3A : vector<1x65536xf32> to vector<16x65536xf32>
    %mul3A_4 = arith.mulf %mul3A, %get3A_3 : vector<16x65536xf32>
    %sub3A = arith.constant 1.000000e+00 : f32
    %sub3A_5 = vector.broadcast %sub3A : f32 to vector<1x65536xf32>
    %sub3A_6 = arith.subf %sub3A_5, %reshape3A : vector<1x65536xf32>
    %sqrt3A_7 = math.sqrt %sub3A_6 : vector<1x65536xf32>
    %get3A_8 = arith.constant 0 : index
    %get3A_9 = arith.constant 0 : index
    %get3A_10 = vector.load %arg2[%get3A_8, %get3A_9] : memref<16x65536xf32, #tpu.memory_space<vmem>>, vector<16x65536xf32>
    %mul3A_11 = vector.broadcast %sqrt3A_7 : vector<1x65536xf32> to vector<16x65536xf32>
    %mul3A_12 = arith.mulf %mul3A_11, %get3A_10 : vector<16x65536xf32>
    %add3A = arith.addf %mul3A_4, %mul3A_12 : vector<16x65536xf32>
    %swap3A = arith.constant 0 : index
    %swap3A_13 = arith.constant 0 : index
    %swap3A_14 = vector.load %arg5[%swap3A, %swap3A_13] : memref<16x65536xf32, #tpu.memory_space<vmem>>, vector<16x65536xf32>
    tpu.vector_store %arg5[%swap3A, %swap3A_13], %add3A {strides = array<i32>} : memref<16x65536xf32, #tpu.memory_space<vmem>>, vector<16x65536xf32>,
    return
  }
  func.func @transform_0(%arg0: i32) -> (i32, i32) {
    %add3A = arith.constant 8 : i32
    %add3A_0 = arith.addi %arg0, %add3A : i32
    %c0_i32 = arith.constant 0 : i32
    %c0_i32_1 = arith.constant 0 : i32
    return %c0_i32, %add3A_0 : i32, i32
  }
  func.func @transform_1(%arg0: i32) -> (i32, i32) {
    %add3A = arith.constant 8 : i32
    %add3A_0 = arith.addi %arg0, %add3A : i32
    %c0_i32 = arith.constant 0 : i32
    %c0_i32_1 = arith.constant 0 : i32
    return %c0_i32, %add3A_0 : i32, i32
  }
  func.func @transform_2(%arg0: i32) -> i32 {
    %c0_i32 = arith.constant 0 : i32
    return %arg0 : i32
  }
  func.func @transform_3(%arg0: i32) -> (i32, i32) {
    %c0_i32 = arith.constant 0 : i32
    %c0_i32_0 = arith.constant 0 : i32
    %c0_i32_1 = arith.constant 0 : i32
    return %c0_i32, %c0_i32_0 : i32, i32
  }
  func.func @transform_4(%arg0: i32) -> (i32, i32) {
    %add3A = arith.constant 8 : i32
    %add3A_0 = arith.addi %arg0, %add3A : i32
    %c0_i32 = arith.constant 0 : i32
    %c0_i32_1 = arith.constant 0 : i32
    return %c0_i32, %add3A_0 : i32, i32
  }
}

module attributes {stable_mosaic.version = 14 : i64} {
  func.func @_tc_body0(%arg0: i32, %arg1: memref<16x65536xf32, #tpu.memory_space<vmem>>, %arg2: memref<16x65536xf32, #tpu.memory_space<vmem>>, %arg3: memref<65536xf32, #tpu.memory_space<vmem>>, %arg4: memref<16x65536xf32, #tpu.memory_space<vmem>>) attributes {dimension_semantics = [#tpu.dimension_semantics<arbitrary>], iteration_bounds = array<i64: 8>, scalar_prefetch = 0 : i64, scratch_operands = 0 : i64, tpu.core_type = #tpu.core_type<tc>, window_params = [{transform_indices = @transform_0, window_bounds = array<i64: 16, 65536>}, {transform_indices = @transform_1, window_bounds = array<i64: 16, 65536>}, {transform_indices = @transform_2, window_bounds = array<i64: 65536>}, {transform_indices = @transform_3, window_bounds = array<i64: 16, 65536>}]} {
    %get3A = arith.constant 0 : index
    %get3A_0 = vector.load %arg3[%get3A] : memref<65536xf32, #tpu.memory_space<vmem>>, vector<65536xf32>
    %reshape3A = vector.shape_cast %get3A_0 : vector<65536xf32> to vector<1x65536xf32>
    %sqrt3A = math.sqrt %reshape3A : vector<1x65536xf32>
    %get3A_1 = arith.constant 0 : index
    %get3A_2 = arith.constant 0 : index
    %get3A_3 = vector.load %arg1[%get3A_1, %get3A_2] : memref<16x65536xf32, #tpu.memory_space<vmem>>, vector<16x65536xf32>
    %mul3A = vector.broadcast %sqrt3A : vector<1x65536xf32> to vector<16x65536xf32>
    %mul3A_4 = arith.mulf %mul3A, %get3A_3 : vector<16x65536xf32>
    %sub3A = arith.constant 1.000000e+00 : f32
    %sub3A_5 = vector.broadcast %sub3A : f32 to vector<1x65536xf32>
    %sub3A_6 = arith.subf %sub3A_5, %reshape3A : vector<1x65536xf32>
    %sqrt3A_7 = math.sqrt %sub3A_6 : vector<1x65536xf32>
    %get3A_8 = arith.constant 0 : index
    %get3A_9 = arith.constant 0 : index
    %get3A_10 = vector.load %arg2[%get3A_8, %get3A_9] : memref<16x65536xf32, #tpu.memory_space<vmem>>, vector<16x65536xf32>
    %mul3A_11 = vector.broadcast %sqrt3A_7 : vector<1x65536xf32> to vector<16x65536xf32>
    %mul3A_12 = arith.mulf %mul3A_11, %get3A_10 : vector<16x65536xf32>
    %add3A = arith.addf %mul3A_4, %mul3A_12 : vector<16x65536xf32>
    %swap3A = arith.constant 0 : index
    %swap3A_13 = arith.constant 0 : index
    %swap3A_14 = vector.load %arg4[%swap3A, %swap3A_13] : memref<16x65536xf32, #tpu.memory_space<vmem>>, vector<16x65536xf32>
    tpu.vector_store %arg4[%swap3A, %swap3A_13], %add3A {strides = array<i32>} : memref<16x65536xf32, #tpu.memory_space<vmem>>, vector<16x65536xf32>,
    return
  }
  func.func @transform_0(%arg0: i32) -> (i32, i32) {
    %c0_i32 = arith.constant 0 : i32
    %c0_i32_0 = arith.constant 0 : i32
    return %c0_i32, %arg0 : i32, i32
  }
  func.func @transform_1(%arg0: i32) -> (i32, i32) {
    %c0_i32 = arith.constant 0 : i32
    %c0_i32_0 = arith.constant 0 : i32
    return %c0_i32, %arg0 : i32, i32
  }
  func.func @transform_2(%arg0: i32) -> i32 {
    %c0_i32 = arith.constant 0 : i32
    return %arg0 : i32
  }
  func.func @transform_3(%arg0: i32) -> (i32, i32) {
    %c0_i32 = arith.constant 0 : i32
    %c0_i32_0 = arith.constant 0 : i32
    return %c0_i32, %arg0 : i32, i32
  }
}

</mosaic_0001>

<sc_bundles>
// kernel: kernel.6.cloned.1.call-start
scs
__scs_entry_jumppad:
0x0: {  	(pc) =	sbr.rel $0x88, $3  }
0x1: {  	(tag) =	ssettag $0x0;
	lr =	simm.s32 $0x1  }
0x2: {  	[smem:$0x3F9C] =	sst lr;
	_ =	strace $0xD0000000  }
0x3: {  	_ = 	snop  }
0x4: {  	_ = 	snop  }
0x5: {  	_ = 	snop  }
0x6: {  	_ = 	snop  }
0x7: {  	_ = 	snop  }
__scs_overlays_trampoline_lowered:
0x8: {  	[smem:$0x3FAB] =	sst s0  }
0x9: {  	[smem:$0x3FAC] =	sst s1  }
0xa: {  	[smem:$0x3FAD] =	sst s2  }
0xb: {  	[smem:$0x3FAE] =	sst s3  }
0xc: {  	[smem:$0x3FAF] =	sst s4  }
0xd: {  	[smem:$0x3FB0] =	sst s5  }
0xe: {  	[smem:$0x3FB1] =	sst s6  }
0xf: {  	[smem:$0x3FB2] =	sst s7  }
0x10: {  	[smem:$0x3FB3] =	sst s8  }
0x11: {  	[smem:$0x3FB4] =	sst s9;
	s0 =	simm.s32 @!p0 $0x0  }
0x12: {  	s1 =	sld [smem:$0x3F9A];
	s0 =	simm.s32 @p0 $0x1  }
0x13: {  	[smem:$0x3FB5] =	sst s0;
	s0 =	simm.s32 @!p1 $0x0  }
0x14: {  	s2 =	sld [smem:$0x3F99];
	s0 =	simm.s32 @p1 $0x1  }
0x15: {  	[smem:$0x3FB6] =	sst s0;
	s0 =	simm.s32 @!p2 $0x0  }
0x16: {  	s3 =	sld [smem:$0x3FDB];
	s0 =	simm.s32 @p2 $0x1  }
0x17: {  	s4 =	simm.s32 $0x1BF5;
	[smem:$0x3FB8] =	sst s0  }
0x18: {  	s0 =	sld [smem:$0x3F9B];
	_ =	swait.ge [sflag:s4], $0x0  }
0x19: {  	s7 =	sld [smem:$0x3F9C]  }
0x1a: {  	s8 =	sadd.s32 $0xFFFFE003, lr  }
0x1b: {  	s9 =	sadd.s32 $0xFFFFFEF7, lr;
	s5 =	simm.s32 $0xFFFFFFFF;
	p2 =	slt.u32 s8, $0xFFFFF086  }
0x1c: {  	p1 =	slt.u32 s9, $0xF7A;
	s5 =	simm.s32 @!p2 $0x0  }
0x1d: {  	s5 =	simm.s32 @p1 $0x1;
	p0 =	seq.s32 s7, s2  }
0x1e: {  	s7 =	smul.u32 @!p0 $0xF7A, s2;
	p2 =	seq.s32 @!p0 s5, $0x0  }
0x1f: {  	s9 =	smul.u32 $0xF7A, s1;
	s8 =	simm.s32 @!p0 $0x1BF5;
	p2 =	por !p2, p0  }
0x20: {  	[sflag:s8] =	ssyncset.s32 @!p0 $0xFFFFF086;
	s6 =	sadd.s32 @!p0 s3, s7;
	s7 =	simm.s32 @!p0 $0x108  }
0x21: {  	s3 =	sadd.s32 s3, s9;
	s6 =	sadd.s32 @!p0 $0x88, s6;
	s7 =	simm.s32 @p2 $0x1082  }
0x22: {  	[simem:s7], [sflag:s8] =	dma.local @!p0 [hbm:s6], $0xF7A  }
0x23: {  	s9 =	sor.u32 $0xD0000000, s2;
	s6 =	simm.s32 $0x108;
	_ =	swait.ge @!p0 [sflag:s8], $0x0  }
0x24: {  	s3 =	sadd.s32 $0x88, s3;
	s6 =	simm.s32 @!p1 $0x1082;
	[sflag:s4] =	ssyncset.s32 $0xFFFFF086  }
0x25: {  	[simem:s6], [sflag:s4] =	dma.local [hbm:s3], $0xF7A  }
0x26: {  	[smem:$0x3F9C] =	sst s1;
	(tag) =	ssettag s2;
	_ =	strace s9  }
0x27: {  	s1 =	sld [smem:$0x3FAC]  }
0x28: {  	s2 =	sld [smem:$0x3FAD]  }
0x29: {  	s4 =	sld [smem:$0x3FAF]  }
0x2a: {  	p0 =	seq.s32 s5, $0x0;
	s5 =	sld [smem:$0x3FB0]  }
0x2b: {  	s6 =	sld [smem:$0x3FB1]  }
0x2c: {  	s7 =	sld [smem:$0x3FB2]  }
0x2d: {  	s3 =	simm.s32 $0x108;
	s8 =	sld [smem:$0x3FB3]  }
0x2e: {  	s3 =	simm.s32 @!p0 $0x1082;
	s9 =	sld [smem:$0x3FB4]  }
0x2f: {  	lr =	sadd.s32 s0, s3;
	s0 =	sld [smem:$0x3FAB]  }
0x30: {  	s3 =	sld [smem:$0x3FAE]  }
0x31: {  	[smem:$0x3FB7] =	sst s10  }
0x32: {  	s10 =	sld [smem:$0x3FB5];
	_ =	sdelay $0x3  }
0x33: {  	p0 =	seq.s32 s10, $0x1;
	s10 =	sld [smem:$0x3FB7];
	_ =	sdelay $0x3  }
0x34: {  	[smem:$0x3FB7] =	sst s10  }
0x35: {  	s10 =	sld [smem:$0x3FB6];
	_ =	sdelay $0x3  }
0x36: {  	p1 =	seq.s32 s10, $0x1;
	s10 =	sld [smem:$0x3FB7];
	_ =	sdelay $0x3  }
0x37: {  	[smem:$0x3FB7] =	sst s10  }
0x38: {  	s10 =	sld [smem:$0x3FB8]  }
0x39: {  	_ = 	snop;
	(pc) =	sbr.ind lr, $3  }
0x3a: {  	_ = 	snop  }
0x3b: {  	_ = 	snop  }
0x3c: {  	p2 =	seq.s32 s10, $0x1;
	s10 =	sld [smem:$0x3FB7]  }
0x3d: {  	_ =	shalt  }
0x3e: {  	_ =	shalt  }
0x3f: {  	_ =	shalt  }
0x40: {  	_ =	shalt  }
0x41: {  	_ =	shalt  }
0x42: {  	_ =	shalt  }
0x43: {  	_ =	shalt  }
0x44: {  	_ =	shalt  }
0x45: {  	_ =	shalt  }
0x46: {  	_ =	shalt  }
0x47: {  	_ =	shalt  }
0x48: {  	_ =	shalt  }
0x49: {  	_ =	shalt  }
0x4a: {  	_ =	shalt  }
0x4b: {  	_ =	shalt  }
0x4c: {  	_ =	shalt  }
0x4d: {  	_ =	shalt  }
0x4e: {  	_ =	shalt  }
0x4f: {  	_ =	shalt  }
0x50: {  	_ =	shalt  }
0x51: {  	_ =	shalt  }
0x52: {  	_ =	shalt  }
0x53: {  	_ =	shalt  }
0x54: {  	_ =	shalt  }
0x55: {  	_ =	shalt  }
0x56: {  	_ =	shalt  }
0x57: {  	_ =	shalt  }
0x58: {  	_ =	shalt  }
0x59: {  	_ =	shalt  }
0x5a: {  	_ =	shalt  }
0x5b: {  	_ =	shalt  }
0x5c: {  	_ =	shalt  }
0x5d: {  	_ =	shalt  }
0x5e: {  	_ =	shalt  }
0x5f: {  	_ =	shalt  }
0x60: {  	_ =	shalt  }
0x61: {  	_ =	shalt  }
0x62: {  	_ =	shalt  }
0x63: {  	_ =	shalt  }
0x64: {  	_ =	shalt  }
0x65: {  	_ =	shalt  }
0x66: {  	_ =	shalt  }
0x67: {  	_ =	shalt  }
0x68: {  	_ =	shalt  }
0x69: {  	_ =	shalt  }
0x6a: {  	_ =	shalt  }
0x6b: {  	_ =	shalt  }
0x6c: {  	_ =	shalt  }
0x6d: {  	_ =	shalt  }
0x6e: {  	_ =	shalt  }
0x6f: {  	_ =	shalt  }
0x70: {  	_ =	shalt  }
0x71: {  	_ =	shalt  }
0x72: {  	_ =	shalt  }
0x73: {  	_ =	shalt  }
0x74: {  	_ =	shalt  }
0x75: {  	_ =	shalt  }
0x76: {  	_ =	shalt  }
0x77: {  	_ =	shalt  }
0x78: {  	_ =	shalt  }
0x79: {  	_ =	shalt  }
0x7a: {  	_ =	shalt  }
0x7b: {  	_ =	shalt  }
0x7c: {  	_ =	shalt  }
0x7d: {  	_ =	shalt  }
0x7e: {  	_ =	shalt  }
0x7f: {  	_ =	shalt  }
0x80: {  	_ =	shalt  }
0x81: {  	_ =	shalt  }
0x82: {  	_ =	shalt  }
0x83: {  	_ =	shalt  }
0x84: {  	_ =	shalt  }
0x85: {  	_ =	shalt  }
0x86: {  	_ =	shalt  }
0x87: {  	_ =	shalt  }
.Lfunc_end0:
.L_simem_size_0:
called_computation_lowered:
.L_overlay_start_0:
0x88: {  	s2 =	sld [smem:$0x3FD9]  }
0x89: {  	s3 =	sld [smem:$0x3FFE];
	_ =	sdelay $0x1  }
0x8a: {  	s1 =	srdreg.scid  }
0x8b: {  	s0 =	sand.u32 $0x1, s1  }
0x8c: {  	s14 =	sshll.u32 s0, $0xA;
	s2 =	sadd.s32 s3, s2  }
0x8d: {  	s2 =	sadd.s32 s2, s14  }
0x8e: {  	[smem:$0x3FC3] =	sst s2  }
0x8f: {  	_ = 	snop  }
0x90: {  	s2 =	sld [smem:$0x3FD0];
	_ =	sdelay $0x1  }
0x91: {  	s15 =	sld [smem:$0x3FC8]  }
0x92: {  	s5 =	simm.s32 $0xB;
	s6 =	simm.s32 $0x10;
	s4 =	sld [smem:$0x3FC7]  }
0x93: {  	[smem:s6], [sflag:s5] =	dma.local [hbm:s2], $0x1  }
0x94: {  	_ =	swait.eq [sflag:s5], $0x1  }
0x95: {  	[sflag:s5] =	ssyncset.done $0x0  }
0x96: {  	[sflag:s5] =	ssyncadd.s32 $0xFFFFFFFF  }
0x97: {  	s16 =	sld [smem:$0x10];
	(tm) =	ssettm $0x1  }
0x98: {  	s17 =	sld [smem:$0x3FFB];
	_ =	sdelay $0x3  }
0x99: {  	_ =	strace s17  }
0x9a: {  	s5 =	sld [smem:$0x3FFC];
	_ =	sdelay $0x3  }
0x9b: {  	_ =	strace s5  }
0x9c: {  	s5 =	sld [smem:$0x3FFD];
	_ =	sdelay $0x3  }
0x9d: {  	_ =	strace s5  }
0x9e: {  	_ =	strace $0x8FFFFFFF  }
0x9f: {  	s18 =	sld [smem:$0x3FDB];
	_ =	sdelay $0x1  }
0xa0: {  	s19 =	simm.s32 $_scs_section_size  }
0xa1: {  	s7 =	simm.s32 $_size__tile_overlayer_lowered;
	s8 =	simm.s32 $_tile_overlayer_lowered  }
0xa2: {  	s22 =	simm.s32 $0x1BFF;
	s21 =	sshll.u32 s8, $0x1;
	s5 =	sadd.s32 s19, s18  }
0xa3: {  	s9 =	simm.s32 $0x0;
	s20 =	sshll.u32 s7, $0x1;
	s7 =	sadd.s32 s21, s5  }
0xa4: {  	[timem:s9], [sflag:s22] =	dma.local [hbm:s7], s20  }
0xa5: {  	_ =	swait.ge [sflag:s22], s20  }
0xa6: {  	s6 =	ssub.s32 $0x0, s20;
	[sflag:s22] =	ssyncset.done $0x0  }
0xa7: {  	[sflag:s22] =	ssyncadd.s32 s6;
	_ =	sdelay $0x1  }
0xa8: {  	s23 =	simm.s32 $0x1B8B  }
0xa9: {  	_ =	swait.ge [sflag:s23], $0x1  }
0xaa: {  	[sflag:s23] =	ssyncset.done $0x0  }
0xab: {  	s25 =	simm.s32 $0x1B8E;
	s24 =	sld [smem:$0x3FFE];
	[sflag:s23] =	ssyncadd.s32 $0xFFFFFFFF  }
0xac: {  	s26 =	simm.s32 $execute0_lowered;
	[smem:$0x3FD2] =	sst s25  }
0xad: {  	s7 =	sshll.u32 s26, $0x1;
	_ =	strace $0x80000046;
	[dreg:$0x1] =	wrdreg $0xFFFFFFFF  }
0xae: {  	s28 =	simm.s32 $_size_execute0_lowered;
	s5 =	sadd.s32 s5, s7;
	[dreg:$0x0] =	wrdreg $0x0  }
0xaf: {  	s7 =	sshll.u32 s28, $0x1;
	[dreg:$0x2] =	wrdreg s5  }
0xb0: {  	[dreg:$0x3] =	wrdreg s7  }
0xb1: {  	[dreg:$0x4] =	wrdreg $0xC0  }
0xb2: {  	_ =	task [dreg:s9], $0x5FFFF  }
0xb3: {  	[dreg:$0x1] =	wrdreg $0xFFFFFFFF  }
0xb4: {  	[dreg:$0x0] =	wrdreg $0x60  }
0xb5: {  	[dreg:$0x2] =	wrdreg s24  }
0xb6: {  	[dreg:$0x3] =	wrdreg s15  }
0xb7: {  	[dreg:$0x4] =	wrdreg s4  }
0xb8: {  	[dreg:$0x5] =	wrdreg s16  }
0xb9: {  	[dreg:$0x6] =	wrdreg $0x9  }
0xba: {  	_ =	task.clear_ibuf [dreg:s9], $0x7FFFF;
	_ =	strace $0x90000046  }
0xbb: {  	s29 =	simm.s32 $0x9;
	_ =	strace $0x80000048  }
0xbc: {  	_ =	swait.ge [sflag:s29], $0x1  }
0xbd: {  	[sflag:s29] =	ssyncadd.s32 $0xFFFFFFFF  }
0xbe: {  	_ =	strace $0x90000048  }
0xbf: {  	_ =	sfence  }
0xc0: {  	s30 =	sld [smem:$0x0];
	_ =	sdelay $0x2  }
0xc1: {  	s31 =	sshll.u32 s1, $0xD;
	s1 =	sshrl.u32 s1, $0x2  }
0xc2: {  	s3 =	sand.u32 $0x4000, s31;
	s1 =	sadd.s32 s1, s30  }
0xc3: {  	s0 =	sor.u32 s3, s0;
	s1 =	sshll.u32 s1, $0x11  }
0xc4: {  	s0 =	sor.u32 s1, s0  }
0xc5: {  	s0 =	sadd.s32 $0x8F2B, s0  }
0xc6: {  	[sflag:s0] =	ssyncadd.remote.s32 $0x1  }
0xc7: {  	_ =	sfence.sel $0xFFFF  }
0xc8: {  	[dreg:$0x0] =	wrdreg $0xFFFFFFFF;
	(pc) =	sbr.abs _section_cstart, $3  }
0xc9: {  	[dreg:$0x1] =	wrdreg $0xFFFFFFFF  }
0xca: {  	_ =	task.clear_ibuf [dreg:s9], $0x2FFFF;
	_ =	strace $0x9FFFFFFF  }
0xcb: {  	(tm) =	ssettm $0x7FFFFFFF  }
tec
execute0_lowered:
.L_overlay_start_1:
0x0: {  	(tag) =	ssettag $0x1  }
0x1: {  	s4 =	rddreg [dreg:$0x0]  }
0x2: {  	s1 =	rddreg [dreg:$0x1]  }
0x3: {  	s7 =	rddreg [dreg:$0x2]  }
0x4: {  	s8 =	rddreg [dreg:$0x3]  }
0x5: {  	s0 =	rddreg [dreg:$0x4];
	s2 =	simm.s32 $0x0  }
0x6: {  	s3 =	srdreg.scid;
	s11 =	simm.s32 $0x400;
	s12 =	simm.s32 $0x2400  }
0x7: {  	s13 =	simm.s32 $0x1400;
	s14 =	simm.s32 $0x4400;
	s5 =	sand.u32 $0x1, s3  }
0x8: {  	s15 =	simm.s32 $0x0;
	s3 =	stileid.u32;
	s6 =	ssub.s32 $0x2, s5  }
0x9: {  	s10 =	sshll.u32 s3, $0xC;
	s5 =	sshll.u32 s5, $0xB;
	s9 =	sshrl.u32 s6, $0x1  }
0xa: {  	[smem:$0x7FF] =	sst s2;
	s10 =	sor.u32 s5, s10;
	s9 =	ssub.s32 s6, s9  }
0xb: {  	s5 =	sadd.s32 s7, s10;
	s6 =	sadd.s32 s8, s10;
	s10 =	sor.u32 $0x400, s10  }
0xc: {  	s4 =	sadd.s32 $0xC00, s4;
	_ =	strace $0x80000047;
	s7 =	sadd.s32 s7, s10  }
0xd: {  	s8 =	sadd.s32 s8, s10;
	s9 =	smax.u32 s9, $0x1;
	s10 =	simm.s32 $0x1  }
.LBB2_1:
0xe: {  	[tilespmem:s2], [sflag:$0x1] =	stream.linear.gather [hbm4b:s4+s2], $0x400, $0x38;
	[tilespmem:$0x6400] =	vst v63  }
0xf: {  	_ =	swait.ge [sflag:s10], $0x400  }
0x10: {  	[sflag:s10] =	ssyncset.done $0x0  }
0x11: {  	[sflag:s10] =	ssyncadd.s32 $0xFFFFFC00  }
0x12: {  	[tilespmem:s11], [sflag:$0x1] =	stream.linear.gather [hbm4b:s1+s2], $0x1000, $0x38;
	[tilespmem:$0x6400] =	vst v63  }
0x13: {  	_ =	swait.ge [sflag:s10], $0x1000  }
0x14: {  	[sflag:s10] =	ssyncset.done $0x0  }
0x15: {  	s16 =	simm.s32 $0x0;
	[sflag:s10] =	ssyncadd.s32 $0xFFFFF000  }
0x16: {  	v0 =	vld [tilespmem:s16+$0x400];
	_ =	sdelay $0x7  }
0x17: {  	s17 =	simm.s32 $0x10;
	s18 =	simm.s32 $0x80;
	v0 =	vld.idx.msk [tilespmem:v0+s2+$0x0], $0xffff  }
.LBB2_2:
0x18: {  	p0 =	sne.s32 s18, $0x3FC0;
	v1 =	vld [tilespmem:s17+$0x400];
	_ =	sdelay $0x3  }
.Ltmp0:
0x19: {  	(pc) =	sbr.rel @p0 .LBB2_2-.Ltmp0, $2  }
0x1a: {  	[tilespmem:s16+$0x1400] =	vst v0;
	s16 =	smov.u32 s17;
	_ =	sdelay $0x2  }
0x1b: {  	s17 =	sshra.s32 s18, $0x2;
	s18 =	sadd.s32 $0x40, s18;
	v0 =	vld.idx.msk [tilespmem:v1+s2+$0x0], $0xffff  }
0x1c: {  	v1 =	vld [tilespmem:s17+$0x400];
	_ =	sdelay $0x6  }
0x1d: {  	[tilespmem:s16+$0x1400] =	vst v0  }
0x1e: {  	v0 =	vld.idx.msk [tilespmem:v1+s2+$0x0], $0xffff;
	_ =	sdelay $0x4  }
0x1f: {  	s31 =	simm.s32 $0x0;
	[tilespmem:s17+$0x1400] =	vst v0  }
0x20: {  	[tilespmem:s12], [sflag:$0x1] =	stream.linear.gather [hbm4b:s5+s31], $0x2000, $0x38;
	[tilespmem:$0x6400] =	vst v63  }
0x21: {  	_ =	swait.ge [sflag:s10], $0x2000  }
0x22: {  	[sflag:s10] =	ssyncset.done $0x0  }
0x23: {  	s16 =	simm.s32 $0x0;
	[sflag:s10] =	ssyncadd.s32 $0xFFFFE000  }
0x24: {  	v0 =	vld [tilespmem:s16+$0x2400];
	_ =	sdelay $0x7  }
0x25: {  	s18 =	simm.s32 $0x80;
	s17 =	simm.s32 $0x10;
	v0 =	vld.idx.msk [tilespmem:v0+s13+$0x0], $0xffff  }
.LBB2_4:
0x26: {  	p0 =	sne.s32 s18, $0x7FC0;
	v1 =	vld [tilespmem:s17+$0x2400];
	_ =	sdelay $0x3  }
.Ltmp1:
0x27: {  	(pc) =	sbr.rel @p0 .LBB2_4-.Ltmp1, $2  }
0x28: {  	[tilespmem:s16+$0x4400] =	vst v0;
	s16 =	smov.u32 s17;
	_ =	sdelay $0x2  }
0x29: {  	s17 =	sshra.s32 s18, $0x2;
	s18 =	sadd.s32 $0x40, s18;
	v0 =	vld.idx.msk [tilespmem:v1+s13+$0x0], $0xffff  }
0x2a: {  	v1 =	vld [tilespmem:s17+$0x2400];
	_ =	sdelay $0x6  }
0x2b: {  	[tilespmem:s16+$0x4400] =	vst v0  }
0x2c: {  	v0 =	vld.idx.msk [tilespmem:v1+s13+$0x0], $0xffff;
	_ =	sdelay $0x4  }
0x2d: {  	s31 =	simm.s32 $0x0;
	[tilespmem:s17+$0x4400] =	vst v0  }
0x2e: {  	[hbm4b:s6+s31] =	stream.linear.scatter [tilespmem:s14], [sflag:$0x1], $0x2000, $0x38;
	[tilespmem:$0x6400] =	vst v63  }
0x2f: {  	_ =	swait.ge [sflag:s10], $0x2000  }
0x30: {  	[sflag:s10] =	ssyncset.done $0x0  }
0x31: {  	[sflag:s10] =	ssyncadd.s32 $0xFFFFE000  }
0x32: {  	[tilespmem:s12], [sflag:$0x1] =	stream.linear.gather [hbm4b:s7+s31], $0x2000, $0x38;
	[tilespmem:$0x6400] =	vst v63  }
0x33: {  	_ =	swait.ge [sflag:s10], $0x2000  }
0x34: {  	[sflag:s10] =	ssyncset.done $0x0  }
0x35: {  	s16 =	simm.s32 $0x0;
	[sflag:s10] =	ssyncadd.s32 $0xFFFFE000  }
0x36: {  	v0 =	vld [tilespmem:s16+$0x2400];
	_ =	sdelay $0x7  }
0x37: {  	s18 =	simm.s32 $0x80;
	s17 =	simm.s32 $0x10;
	v0 =	vld.idx.msk [tilespmem:v0+s13+$0x0], $0xffff  }
.LBB2_6:
0x38: {  	p0 =	sne.s32 s18, $0x7FC0;
	v1 =	vld [tilespmem:s17+$0x2400];
	_ =	sdelay $0x3  }
.Ltmp2:
0x39: {  	(pc) =	sbr.rel @p0 .LBB2_6-.Ltmp2, $2  }
0x3a: {  	[tilespmem:s16+$0x4400] =	vst v0;
	s16 =	smov.u32 s17;
	_ =	sdelay $0x2  }
0x3b: {  	s17 =	sshra.s32 s18, $0x2;
	s18 =	sadd.s32 $0x40, s18;
	v0 =	vld.idx.msk [tilespmem:v1+s13+$0x0], $0xffff  }
0x3c: {  	v1 =	vld [tilespmem:s17+$0x2400];
	_ =	sdelay $0x6  }
0x3d: {  	[tilespmem:s16+$0x4400] =	vst v0  }
0x3e: {  	v0 =	vld.idx.msk [tilespmem:v1+s13+$0x0], $0xffff;
	_ =	sdelay $0x2  }
0x3f: {  	s15 =	sadd.s32 $0x1, s15  }
0x40: {  	p0 =	sne.s32 s15, s9  }
.Ltmp3:
0x41: {  	[tilespmem:s17+$0x4400] =	vst v0;
	(pc) =	sbr.rel @p0 .LBB2_1-.Ltmp3, $4  }
0x42: {  	[hbm4b:s8+s2] =	stream.linear.scatter [tilespmem:s14], [sflag:$0x1], $0x2000, $0x38;
	[tilespmem:$0x6400] =	vst v63  }
0x43: {  	_ =	swait.ge [sflag:s10], $0x2000  }
0x44: {  	[sflag:s10] =	ssyncset.done $0x0  }
0x45: {  	[sflag:s10] =	ssyncadd.s32 $0xFFFFE000  }
0x46: {  	_ =	sfence.sel $0x180000  }
0x47: {  	[bflag:$0x0] =	sbarrier.arrive $0xFFFF  }
0x48: {  	p0 =	sne.s32 s3, $0x0;
	_ =	strace $0x90000047  }
0x49: {  	s0 =	sadd.s32 @!p0 $0x100000, s0;
	[bflag:$0x2] =	sbarrier.arrive $0xFFFF  }
0x4a: {  	[sflag:s0] =	ssyncadd.tile.s32 @!p0 $0x1;
	_ =	shalt  }
.Lfunc_end2:
_tile_overlayer_lowered:
.L_overlay_start_2:
0x4b: {  	(tag) =	ssettag $0x2  }
0x4c: {  	s0 =	rddreg [dreg:$0x0];
	s2 =	stileid.u32  }
0x4d: {  	s1 =	rddreg [dreg:$0x1];
	p0 =	sne.s32 s2, $0x0  }
0x4e: {  	s3 =	rddreg [dreg:$0x2];
	[bflag:$0x3] =	sbarrier.arrive $0xFFFF;
	s2 =	simm.s32 @!p0 $0x1C01  }
0x4f: {  	[timem:s3], [sflag:s2] =	dma.local @!p0 [hbm:s0], s1  }
0x50: {  	s0 =	simm.s32 @!p0 $0x1  }
0x51: {  	_ =	swait.ge @!p0 [sflag:s0], s1  }
0x52: {  	s1 =	ssub.s32 @!p0 $0x0, s1;
	[sflag:s0] =	ssyncset.done @!p0 $0x0  }
0x53: {  	[sflag:s0] =	ssyncadd.s32 @!p0 s1  }
0x54: {  	[bflag:$0x3] =	sbarrier.arrive $0xFFFF  }
0x55: {  	_ =	shalt  }

// kernel: kernel.9.cloned.1.call-start
scs
__scs_entry_jumppad:
0x0: {  	(pc) =	sbr.rel $0x88, $3  }
0x1: {  	(tag) =	ssettag $0x0;
	lr =	simm.s32 $0x1  }
0x2: {  	[smem:$0x3F9C] =	sst lr;
	_ =	strace $0xD0000000  }
0x3: {  	_ = 	snop  }
0x4: {  	_ = 	snop  }
0x5: {  	_ = 	snop  }
0x6: {  	_ = 	snop  }
0x7: {  	_ = 	snop  }
__scs_overlays_trampoline_lowered:
0x8: {  	[smem:$0x3FAB] =	sst s0  }
0x9: {  	[smem:$0x3FAC] =	sst s1  }
0xa: {  	[smem:$0x3FAD] =	sst s2  }
0xb: {  	[smem:$0x3FAE] =	sst s3  }
0xc: {  	[smem:$0x3FAF] =	sst s4  }
0xd: {  	[smem:$0x3FB0] =	sst s5  }
0xe: {  	[smem:$0x3FB1] =	sst s6  }
0xf: {  	[smem:$0x3FB2] =	sst s7  }
0x10: {  	[smem:$0x3FB3] =	sst s8  }
0x11: {  	[smem:$0x3FB4] =	sst s9;
	s0 =	simm.s32 @!p0 $0x0  }
0x12: {  	s1 =	sld [smem:$0x3F9A];
	s0 =	simm.s32 @p0 $0x1  }
0x13: {  	[smem:$0x3FB5] =	sst s0;
	s0 =	simm.s32 @!p1 $0x0  }
0x14: {  	s2 =	sld [smem:$0x3F99];
	s0 =	simm.s32 @p1 $0x1  }
0x15: {  	[smem:$0x3FB6] =	sst s0;
	s0 =	simm.s32 @!p2 $0x0  }
0x16: {  	s3 =	sld [smem:$0x3FDB];
	s0 =	simm.s32 @p2 $0x1  }
0x17: {  	s4 =	simm.s32 $0x1BF5;
	[smem:$0x3FB8] =	sst s0  }
0x18: {  	s0 =	sld [smem:$0x3F9B];
	_ =	swait.ge [sflag:s4], $0x0  }
0x19: {  	s7 =	sld [smem:$0x3F9C]  }
0x1a: {  	s8 =	sadd.s32 $0xFFFFE003, lr  }
0x1b: {  	s9 =	sadd.s32 $0xFFFFFEF7, lr;
	s5 =	simm.s32 $0xFFFFFFFF;
	p2 =	slt.u32 s8, $0xFFFFF086  }
0x1c: {  	p1 =	slt.u32 s9, $0xF7A;
	s5 =	simm.s32 @!p2 $0x0  }
0x1d: {  	s5 =	simm.s32 @p1 $0x1;
	p0 =	seq.s32 s7, s2  }
0x1e: {  	s7 =	smul.u32 @!p0 $0xF7A, s2;
	p2 =	seq.s32 @!p0 s5, $0x0  }
0x1f: {  	s9 =	smul.u32 $0xF7A, s1;
	s8 =	simm.s32 @!p0 $0x1BF5;
	p2 =	por !p2, p0  }
0x20: {  	[sflag:s8] =	ssyncset.s32 @!p0 $0xFFFFF086;
	s6 =	sadd.s32 @!p0 s3, s7;
	s7 =	simm.s32 @!p0 $0x108  }
0x21: {  	s3 =	sadd.s32 s3, s9;
	s6 =	sadd.s32 @!p0 $0x88, s6;
	s7 =	simm.s32 @p2 $0x1082  }
0x22: {  	[simem:s7], [sflag:s8] =	dma.local @!p0 [hbm:s6], $0xF7A  }
0x23: {  	s9 =	sor.u32 $0xD0000000, s2;
	s6 =	simm.s32 $0x108;
	_ =	swait.ge @!p0 [sflag:s8], $0x0  }
0x24: {  	s3 =	sadd.s32 $0x88, s3;
	s6 =	simm.s32 @!p1 $0x1082;
	[sflag:s4] =	ssyncset.s32 $0xFFFFF086  }
0x25: {  	[simem:s6], [sflag:s4] =	dma.local [hbm:s3], $0xF7A  }
0x26: {  	[smem:$0x3F9C] =	sst s1;
	(tag) =	ssettag s2;
	_ =	strace s9  }
0x27: {  	s1 =	sld [smem:$0x3FAC]  }
0x28: {  	s2 =	sld [smem:$0x3FAD]  }
0x29: {  	s4 =	sld [smem:$0x3FAF]  }
0x2a: {  	p0 =	seq.s32 s5, $0x0;
	s5 =	sld [smem:$0x3FB0]  }
0x2b: {  	s6 =	sld [smem:$0x3FB1]  }
0x2c: {  	s7 =	sld [smem:$0x3FB2]  }
0x2d: {  	s3 =	simm.s32 $0x108;
	s8 =	sld [smem:$0x3FB3]  }
0x2e: {  	s3 =	simm.s32 @!p0 $0x1082;
	s9 =	sld [smem:$0x3FB4]  }
0x2f: {  	lr =	sadd.s32 s0, s3;
	s0 =	sld [smem:$0x3FAB]  }
0x30: {  	s3 =	sld [smem:$0x3FAE]  }
0x31: {  	[smem:$0x3FB7] =	sst s10  }
0x32: {  	s10 =	sld [smem:$0x3FB5];
	_ =	sdelay $0x3  }
0x33: {  	p0 =	seq.s32 s10, $0x1;
	s10 =	sld [smem:$0x3FB7];
	_ =	sdelay $0x3  }
0x34: {  	[smem:$0x3FB7] =	sst s10  }
0x35: {  	s10 =	sld [smem:$0x3FB6];
	_ =	sdelay $0x3  }
0x36: {  	p1 =	seq.s32 s10, $0x1;
	s10 =	sld [smem:$0x3FB7];
	_ =	sdelay $0x3  }
0x37: {  	[smem:$0x3FB7] =	sst s10  }
0x38: {  	s10 =	sld [smem:$0x3FB8]  }
0x39: {  	_ = 	snop;
	(pc) =	sbr.ind lr, $3  }
0x3a: {  	_ = 	snop  }
0x3b: {  	_ = 	snop  }
0x3c: {  	p2 =	seq.s32 s10, $0x1;
	s10 =	sld [smem:$0x3FB7]  }
0x3d: {  	_ =	shalt  }
0x3e: {  	_ =	shalt  }
0x3f: {  	_ =	shalt  }
0x40: {  	_ =	shalt  }
0x41: {  	_ =	shalt  }
0x42: {  	_ =	shalt  }
0x43: {  	_ =	shalt  }
0x44: {  	_ =	shalt  }
0x45: {  	_ =	shalt  }
0x46: {  	_ =	shalt  }
0x47: {  	_ =	shalt  }
0x48: {  	_ =	shalt  }
0x49: {  	_ =	shalt  }
0x4a: {  	_ =	shalt  }
0x4b: {  	_ =	shalt  }
0x4c: {  	_ =	shalt  }
0x4d: {  	_ =	shalt  }
0x4e: {  	_ =	shalt  }
0x4f: {  	_ =	shalt  }
0x50: {  	_ =	shalt  }
0x51: {  	_ =	shalt  }
0x52: {  	_ =	shalt  }
0x53: {  	_ =	shalt  }
0x54: {  	_ =	shalt  }
0x55: {  	_ =	shalt  }
0x56: {  	_ =	shalt  }
0x57: {  	_ =	shalt  }
0x58: {  	_ =	shalt  }
0x59: {  	_ =	shalt  }
0x5a: {  	_ =	shalt  }
0x5b: {  	_ =	shalt  }
0x5c: {  	_ =	shalt  }
0x5d: {  	_ =	shalt  }
0x5e: {  	_ =	shalt  }
0x5f: {  	_ =	shalt  }
0x60: {  	_ =	shalt  }
0x61: {  	_ =	shalt  }
0x62: {  	_ =	shalt  }
0x63: {  	_ =	shalt  }
0x64: {  	_ =	shalt  }
0x65: {  	_ =	shalt  }
0x66: {  	_ =	shalt  }
0x67: {  	_ =	shalt  }
0x68: {  	_ =	shalt  }
0x69: {  	_ =	shalt  }
0x6a: {  	_ =	shalt  }
0x6b: {  	_ =	shalt  }
0x6c: {  	_ =	shalt  }
0x6d: {  	_ =	shalt  }
0x6e: {  	_ =	shalt  }
0x6f: {  	_ =	shalt  }
0x70: {  	_ =	shalt  }
0x71: {  	_ =	shalt  }
0x72: {  	_ =	shalt  }
0x73: {  	_ =	shalt  }
0x74: {  	_ =	shalt  }
0x75: {  	_ =	shalt  }
0x76: {  	_ =	shalt  }
0x77: {  	_ =	shalt  }
0x78: {  	_ =	shalt  }
0x79: {  	_ =	shalt  }
0x7a: {  	_ =	shalt  }
0x7b: {  	_ =	shalt  }
0x7c: {  	_ =	shalt  }
0x7d: {  	_ =	shalt  }
0x7e: {  	_ =	shalt  }
0x7f: {  	_ =	shalt  }
0x80: {  	_ =	shalt  }
0x81: {  	_ =	shalt  }
0x82: {  	_ =	shalt  }
0x83: {  	_ =	shalt  }
0x84: {  	_ =	shalt  }
0x85: {  	_ =	shalt  }
0x86: {  	_ =	shalt  }
0x87: {  	_ =	shalt  }
.Lfunc_end0:
.L_simem_size_0:
called_computation.1_lowered:
.L_overlay_start_0:
0x88: {  	s2 =	sld [smem:$0x3FD9]  }
0x89: {  	s3 =	sld [smem:$0x3FFE];
	_ =	sdelay $0x1  }
0x8a: {  	s1 =	srdreg.scid  }
0x8b: {  	s0 =	sand.u32 $0x1, s1  }
0x8c: {  	s15 =	sshll.u32 s0, $0xA;
	s2 =	sadd.s32 s3, s2  }
0x8d: {  	s2 =	sadd.s32 s2, s15  }
0x8e: {  	[smem:$0x3FC3] =	sst s2  }
0x8f: {  	_ = 	snop  }
0x90: {  	s4 =	sld [smem:$0x3FD0];
	_ =	sdelay $0x1  }
0x91: {  	s2 =	sld [smem:$0x3FC8]  }
0x92: {  	s5 =	simm.s32 $0xB;
	s6 =	simm.s32 $0x10;
	s16 =	sld [smem:$0x3FC7]  }
0x93: {  	[smem:s6], [sflag:s5] =	dma.local [hbm:s4], $0x1  }
0x94: {  	_ =	swait.eq [sflag:s5], $0x1  }
0x95: {  	[sflag:s5] =	ssyncset.done $0x0  }
0x96: {  	[sflag:s5] =	ssyncadd.s32 $0xFFFFFFFF  }
0x97: {  	s17 =	sld [smem:$0x11];
	(tm) =	ssettm $0x1  }
0x98: {  	s18 =	sld [smem:$0x3FFB];
	_ =	sdelay $0x3  }
0x99: {  	_ =	strace s18  }
0x9a: {  	s4 =	sld [smem:$0x3FFC];
	_ =	sdelay $0x3  }
0x9b: {  	_ =	strace s4  }
0x9c: {  	s4 =	sld [smem:$0x3FFD];
	_ =	sdelay $0x3  }
0x9d: {  	_ =	strace s4  }
0x9e: {  	_ =	strace $0x8FFFFFFF  }
0x9f: {  	s19 =	sld [smem:$0x3FDB];
	_ =	sdelay $0x1  }
0xa0: {  	s20 =	simm.s32 $_scs_section_size  }
0xa1: {  	s7 =	simm.s32 $_size__tile_overlayer_lowered;
	s8 =	simm.s32 $_tile_overlayer_lowered  }
0xa2: {  	s9 =	simm.s32 $0x1BFF;
	s21 =	sshll.u32 s8, $0x1;
	s6 =	sadd.s32 s20, s19  }
0xa3: {  	s22 =	simm.s32 $0x0;
	s7 =	sshll.u32 s7, $0x1;
	s8 =	sadd.s32 s21, s6  }
0xa4: {  	[timem:s22], [sflag:s9] =	dma.local [hbm:s8], s7  }
0xa5: {  	_ =	swait.ge [sflag:s9], s7  }
0xa6: {  	s7 =	ssub.s32 $0x0, s7;
	[sflag:s9] =	ssyncset.done $0x0  }
0xa7: {  	[sflag:s9] =	ssyncadd.s32 s7;
	_ =	sdelay $0x1  }
0xa8: {  	s23 =	simm.s32 $0x1B8B  }
0xa9: {  	_ =	swait.ge [sflag:s23], $0x1  }
0xaa: {  	[sflag:s23] =	ssyncset.done $0x0  }
0xab: {  	[sflag:s23] =	ssyncadd.s32 $0xFFFFFFFF  }
0xac: {  	s7 =	sld [smem:$0x0]  }
0xad: {  	s8 =	sand.u32 $0xFFFFFFFE, s1  }
0xae: {  	p0 =	sne.s32 s1, s8  }
0xaf: {  	s8 =	sshll.u32 @p0 s8, $0xE  }
0xb0: {  	s8 =	sadd.s32 @p0 $0x11B8D, s8;
	s9 =	sshll.u32 @p0 s7, $0x11  }
0xb1: {  	s8 =	sor.u32 @p0 s9, s8  }
0xb2: {  	[sflag:s8] =	ssyncadd.remote.s32 @p0 $0x1;
	_ =	sdelay $0x1  }
0xb3: {  	s8 =	simm.s32 @p0 $0x1B8D  }
0xb4: {  	_ =	swait.eq @p0 [sflag:s8], $0x1  }
0xb5: {  	[sflag:s8] =	ssyncadd.s32 @p0 $0xFFFFFFFF  }
0xb6: {  	s9 =	sshll.u32 @!p0 s1, $0xE  }
0xb7: {  	s9 =	sor.u32 @!p0 $0x4000, s9;
	s8 =	simm.s32 @!p0 $0x1B8D  }
0xb8: {  	s7 =	sshll.u32 @!p0 s7, $0x11;
	s9 =	sadd.s32 @!p0 $0x11B8D, s9;
	_ =	swait.eq @!p0 [sflag:s8], $0x1  }
0xb9: {  	s7 =	sor.u32 @!p0 s7, s9;
	[sflag:s8] =	ssyncadd.s32 @!p0 $0xFFFFFFFF  }
0xba: {  	s25 =	simm.s32 $0x1B8E;
	s24 =	sld [smem:$0x3FFE];
	[sflag:s7] =	ssyncadd.remote.s32 @!p0 $0x1  }
0xbb: {  	s26 =	simm.s32 $execute0_lowered;
	[smem:$0x3FD2] =	sst s25  }
0xbc: {  	s8 =	sshll.u32 s26, $0x1;
	_ =	strace $0x80000049;
	[dreg:$0x1] =	wrdreg $0xFFFFFFFF  }
0xbd: {  	s28 =	simm.s32 $_size_execute0_lowered;
	s6 =	sadd.s32 s6, s8;
	[dreg:$0x0] =	wrdreg $0x0  }
0xbe: {  	s8 =	sshll.u32 s28, $0x1;
	[dreg:$0x2] =	wrdreg s6  }
0xbf: {  	[dreg:$0x3] =	wrdreg s8  }
0xc0: {  	[dreg:$0x4] =	wrdreg $0xC0  }
0xc1: {  	_ =	task [dreg:s22], $0x5FFFF  }
0xc2: {  	[dreg:$0x1] =	wrdreg $0xFFFFFFFF  }
0xc3: {  	[dreg:$0x0] =	wrdreg $0x60  }
0xc4: {  	[dreg:$0x2] =	wrdreg s24  }
0xc5: {  	[dreg:$0x3] =	wrdreg s2  }
0xc6: {  	[dreg:$0x4] =	wrdreg s16  }
0xc7: {  	[dreg:$0x5] =	wrdreg s17  }
0xc8: {  	[dreg:$0x6] =	wrdreg $0xA  }
0xc9: {  	_ =	task.clear_ibuf [dreg:s22], $0x7FFFF;
	_ =	strace $0x90000049  }
0xca: {  	s29 =	simm.s32 $0xA;
	_ =	strace $0x8000004B  }
0xcb: {  	_ =	swait.ge [sflag:s29], $0x1  }
0xcc: {  	[sflag:s29] =	ssyncadd.s32 $0xFFFFFFFF  }
0xcd: {  	_ =	strace $0x9000004B  }
0xce: {  	_ =	sfence  }
0xcf: {  	s30 =	sld [smem:$0x0];
	_ =	sdelay $0x2  }
0xd0: {  	s31 =	sshll.u32 s1, $0xD;
	s1 =	sshrl.u32 s1, $0x2  }
0xd1: {  	s3 =	sand.u32 $0x4000, s31;
	s1 =	sadd.s32 s1, s30  }
0xd2: {  	s0 =	sor.u32 s3, s0;
	s1 =	sshll.u32 s1, $0x11  }
0xd3: {  	s0 =	sor.u32 s1, s0  }
0xd4: {  	s0 =	sadd.s32 $0x8F2B, s0  }
0xd5: {  	[sflag:s0] =	ssyncadd.remote.s32 $0x1  }
0xd6: {  	_ =	sfence.sel $0xFFFF  }
0xd7: {  	[dreg:$0x0] =	wrdreg $0xFFFFFFFF;
	(pc) =	sbr.abs _section_cstart, $3  }
0xd8: {  	[dreg:$0x1] =	wrdreg $0xFFFFFFFF  }
0xd9: {  	_ =	task.clear_ibuf [dreg:s22], $0x2FFFF;
	_ =	strace $0x9FFFFFFF  }
0xda: {  	(tm) =	ssettm $0x7FFFFFFF  }
0xdb: {  	_ =	shalt  }
tec
execute0_lowered:
.L_overlay_start_1:
0x0: {  	(tag) =	ssettag $0x1  }
0x1: {  	s4 =	rddreg [dreg:$0x0]  }
0x2: {  	s1 =	rddreg [dreg:$0x1]  }
0x3: {  	s5 =	rddreg [dreg:$0x2]  }
0x4: {  	s6 =	rddreg [dreg:$0x3]  }
0x5: {  	s0 =	rddreg [dreg:$0x4];
	s7 =	srdreg.scid  }
0x6: {  	s3 =	simm.s32 $0x0;
	s2 =	stileid.u32;
	s11 =	simm.s32 $0x400  }
0x7: {  	s12 =	simm.s32 $0x2400;
	s13 =	simm.s32 $0x1400;
	s14 =	simm.s32 $0x4400  }
0x8: {  	s15 =	simm.s32 $0x0;
	s7 =	sand.u32 $0x1, s7;
	[smem:$0x7FF] =	sst s3  }
0x9: {  	s8 =	sshll.u32 s2, $0xC;
	s9 =	sshll.u32 s7, $0xB;
	s7 =	ssub.s32 $0x2, s7  }
0xa: {  	s4 =	sadd.s32 $0xC00, s4;
	s8 =	sor.u32 s9, s8;
	s31 =	sshrl.u32 s7, $0x1  }
0xb: {  	_ =	strace $0x8000004A;
	s10 =	sadd.s32 s8, s5;
	s9 =	ssub.s32 s7, s31  }
0xc: {  	s6 =	sadd.s32 s6, s8;
	s5 =	sadd.s32 $0x10000, s10;
	s7 =	sadd.s32 $0x10400, s10  }
0xd: {  	s8 =	sadd.s32 $0x400, s6;
	s9 =	smax.u32 s9, $0x1;
	s10 =	simm.s32 $0x1  }
.LBB2_1:
0xe: {  	[tilespmem:s3], [sflag:$0x1] =	stream.linear.gather [hbm4b:s4+s3], $0x400, $0x38;
	[tilespmem:$0x6400] =	vst v63  }
0xf: {  	_ =	swait.ge [sflag:s10], $0x400  }
0x10: {  	[sflag:s10] =	ssyncset.done $0x0  }
0x11: {  	[sflag:s10] =	ssyncadd.s32 $0xFFFFFC00  }
0x12: {  	[tilespmem:s11], [sflag:$0x1] =	stream.linear.gather [hbm4b:s1+s3], $0x1000, $0x38;
	[tilespmem:$0x6400] =	vst v63  }
0x13: {  	_ =	swait.ge [sflag:s10], $0x1000  }
0x14: {  	[sflag:s10] =	ssyncset.done $0x0  }
0x15: {  	s16 =	simm.s32 $0x0;
	[sflag:s10] =	ssyncadd.s32 $0xFFFFF000  }
0x16: {  	v0 =	vld [tilespmem:s16+$0x400];
	_ =	sdelay $0x7  }
0x17: {  	s17 =	simm.s32 $0x10;
	s18 =	simm.s32 $0x80;
	v0 =	vld.idx.msk [tilespmem:v0+s3+$0x0], $0xffff  }
.LBB2_2:
0x18: {  	p0 =	sne.s32 s18, $0x3FC0;
	v1 =	vld [tilespmem:s17+$0x400];
	_ =	sdelay $0x3  }
.Ltmp0:
0x19: {  	(pc) =	sbr.rel @p0 .LBB2_2-.Ltmp0, $2  }
0x1a: {  	[tilespmem:s16+$0x1400] =	vst v0;
	s16 =	smov.u32 s17;
	_ =	sdelay $0x2  }
0x1b: {  	s17 =	sshra.s32 s18, $0x2;
	s18 =	sadd.s32 $0x40, s18;
	v0 =	vld.idx.msk [tilespmem:v1+s3+$0x0], $0xffff  }
0x1c: {  	v1 =	vld [tilespmem:s17+$0x400];
	_ =	sdelay $0x6  }
0x1d: {  	[tilespmem:s16+$0x1400] =	vst v0  }
0x1e: {  	v0 =	vld.idx.msk [tilespmem:v1+s3+$0x0], $0xffff;
	_ =	sdelay $0x4  }
0x1f: {  	s31 =	simm.s32 $0x0;
	[tilespmem:s17+$0x1400] =	vst v0  }
0x20: {  	[tilespmem:s12], [sflag:$0x1] =	stream.linear.gather [hbm4b:s5+s31], $0x2000, $0x38;
	[tilespmem:$0x6400] =	vst v63  }
0x21: {  	_ =	swait.ge [sflag:s10], $0x2000  }
0x22: {  	[sflag:s10] =	ssyncset.done $0x0  }
0x23: {  	s16 =	simm.s32 $0x0;
	[sflag:s10] =	ssyncadd.s32 $0xFFFFE000  }
0x24: {  	v0 =	vld [tilespmem:s16+$0x2400];
	_ =	sdelay $0x7  }
0x25: {  	s18 =	simm.s32 $0x80;
	s17 =	simm.s32 $0x10;
	v0 =	vld.idx.msk [tilespmem:v0+s13+$0x0], $0xffff  }
.LBB2_4:
0x26: {  	p0 =	sne.s32 s18, $0x7FC0;
	v1 =	vld [tilespmem:s17+$0x2400];
	_ =	sdelay $0x3  }
.Ltmp1:
0x27: {  	(pc) =	sbr.rel @p0 .LBB2_4-.Ltmp1, $2  }
0x28: {  	[tilespmem:s16+$0x4400] =	vst v0;
	s16 =	smov.u32 s17;
	_ =	sdelay $0x2  }
0x29: {  	s17 =	sshra.s32 s18, $0x2;
	s18 =	sadd.s32 $0x40, s18;
	v0 =	vld.idx.msk [tilespmem:v1+s13+$0x0], $0xffff  }
0x2a: {  	v1 =	vld [tilespmem:s17+$0x2400];
	_ =	sdelay $0x6  }
0x2b: {  	[tilespmem:s16+$0x4400] =	vst v0  }
0x2c: {  	v0 =	vld.idx.msk [tilespmem:v1+s13+$0x0], $0xffff;
	_ =	sdelay $0x4  }
0x2d: {  	s31 =	simm.s32 $0x0;
	[tilespmem:s17+$0x4400] =	vst v0  }
0x2e: {  	[hbm4b:s6+s31] =	stream.linear.scatter [tilespmem:s14], [sflag:$0x1], $0x2000, $0x38;
	[tilespmem:$0x6400] =	vst v63  }
0x2f: {  	_ =	swait.ge [sflag:s10], $0x2000  }
0x30: {  	[sflag:s10] =	ssyncset.done $0x0  }
0x31: {  	[sflag:s10] =	ssyncadd.s32 $0xFFFFE000  }
0x32: {  	[tilespmem:s12], [sflag:$0x1] =	stream.linear.gather [hbm4b:s7+s31], $0x2000, $0x38;
	[tilespmem:$0x6400] =	vst v63  }
0x33: {  	_ =	swait.ge [sflag:s10], $0x2000  }
0x34: {  	[sflag:s10] =	ssyncset.done $0x0  }
0x35: {  	s16 =	simm.s32 $0x0;
	[sflag:s10] =	ssyncadd.s32 $0xFFFFE000  }
0x36: {  	v0 =	vld [tilespmem:s16+$0x2400];
	_ =	sdelay $0x7  }
0x37: {  	s18 =	simm.s32 $0x80;
	s17 =	simm.s32 $0x10;
	v0 =	vld.idx.msk [tilespmem:v0+s13+$0x0], $0xffff  }
.LBB2_6:
0x38: {  	p0 =	sne.s32 s18, $0x7FC0;
	v1 =	vld [tilespmem:s17+$0x2400];
	_ =	sdelay $0x3  }
.Ltmp2:
0x39: {  	(pc) =	sbr.rel @p0 .LBB2_6-.Ltmp2, $2  }
0x3a: {  	[tilespmem:s16+$0x4400] =	vst v0;
	s16 =	smov.u32 s17;
	_ =	sdelay $0x2  }
0x3b: {  	s17 =	sshra.s32 s18, $0x2;
	s18 =	sadd.s32 $0x40, s18;
	v0 =	vld.idx.msk [tilespmem:v1+s13+$0x0], $0xffff  }
0x3c: {  	v1 =	vld [tilespmem:s17+$0x2400];
	_ =	sdelay $0x6  }
0x3d: {  	[tilespmem:s16+$0x4400] =	vst v0  }
0x3e: {  	v0 =	vld.idx.msk [tilespmem:v1+s13+$0x0], $0xffff;
	_ =	sdelay $0x2  }
0x3f: {  	s15 =	sadd.s32 $0x1, s15  }
0x40: {  	p0 =	sne.s32 s15, s9  }
.Ltmp3:
0x41: {  	[tilespmem:s17+$0x4400] =	vst v0;
	(pc) =	sbr.rel @p0 .LBB2_1-.Ltmp3, $4  }
0x42: {  	[hbm4b:s8+s3] =	stream.linear.scatter [tilespmem:s14], [sflag:$0x1], $0x2000, $0x38;
	[tilespmem:$0x6400] =	vst v63  }
0x43: {  	_ =	swait.ge [sflag:s10], $0x2000  }
0x44: {  	[sflag:s10] =	ssyncset.done $0x0  }
0x45: {  	[sflag:s10] =	ssyncadd.s32 $0xFFFFE000  }
0x46: {  	_ =	sfence.sel $0x180000  }
0x47: {  	[bflag:$0x0] =	sbarrier.arrive $0xFFFF  }
0x48: {  	p0 =	sne.s32 s2, $0x0;
	_ =	strace $0x9000004A  }
0x49: {  	s0 =	sadd.s32 @!p0 $0x100000, s0;
	[bflag:$0x2] =	sbarrier.arrive $0xFFFF  }
0x4a: {  	[sflag:s0] =	ssyncadd.tile.s32 @!p0 $0x1;
	_ =	shalt  }
.Lfunc_end2:
_tile_overlayer_lowered:
.L_overlay_start_2:
0x4b: {  	(tag) =	ssettag $0x2  }
0x4c: {  	s0 =	rddreg [dreg:$0x0];
	s2 =	stileid.u32  }
0x4d: {  	s1 =	rddreg [dreg:$0x1];
	p0 =	sne.s32 s2, $0x0  }
0x4e: {  	s3 =	rddreg [dreg:$0x2];
	[bflag:$0x3] =	sbarrier.arrive $0xFFFF;
	s2 =	simm.s32 @!p0 $0x1C01  }
0x4f: {  	[timem:s3], [sflag:s2] =	dma.local @!p0 [hbm:s0], s1  }
0x50: {  	s0 =	simm.s32 @!p0 $0x1  }
0x51: {  	_ =	swait.ge @!p0 [sflag:s0], s1  }
0x52: {  	s1 =	ssub.s32 @!p0 $0x0, s1;
	[sflag:s0] =	ssyncset.done @!p0 $0x0  }
0x53: {  	[sflag:s0] =	ssyncadd.s32 @!p0 s1  }
0x54: {  	[bflag:$0x3] =	sbarrier.arrive $0xFFFF  }
0x55: {  	_ =	shalt  }

</sc_bundles>
